<compile_context>
chip_gen: v7x
topology: tpu7x:2x2x1
jax: 0.10.2.dev20260603
libtpu: 0.0.44.dev20260713+nightly
codegen_flags: <defaults>
</compile_context>

<pallas_src>
import functools

import jax
import jax.numpy as jnp
from jax import lax
from jax.experimental import pallas as pl
from jax.experimental.pallas import tpu as pltpu
from jax.experimental.pallas import tpu_sc as plsc

N = 10000
D = 256
E = 160000
LUB_EPS = 0.0001

NC = 2
NS = 16
L = 16

NP = 10496
ROWS_PER_TILE = NP // NS
EPAD = 163840
CHUNK = 128
EPT_A = EPAD // NS
NCH_A = EPT_A // CHUNK
EPT_D = EPAD // (NC * NS)
NCH_D = EPT_D // CHUNK

_mesh = plsc.VectorSubcoreMesh(
    core_axis_name="c", subcore_axis_name="s", num_cores=NC, num_subcores=NS)


@functools.partial(
    pl.kernel,
    out_type=jax.ShapeDtypeStruct((NC, NP, 128), jnp.float32),
    mesh=_mesh,
    scratch_types=[
        pltpu.VMEM_SHARED((NP, 128), jnp.float32),
        pltpu.VMEM((NCH_A, CHUNK), jnp.int32),
        pltpu.VMEM((NCH_A, CHUNK), jnp.int32),
        pltpu.VMEM((CHUNK, 128), jnp.float32),
        pltpu.SemaphoreType.DMA,
    ],
)
def _segsum(x2, src2x, dstA, zrows, agg, acc, src_v, dst_v, rowbuf, sem):
    c = lax.axis_index("c")
    s = lax.axis_index("s")
    r0 = s * ROWS_PER_TILE
    pltpu.sync_copy(zrows, acc.at[pl.ds(r0, ROWS_PER_TILE)])
    pltpu.sync_copy(src2x.at[c, s], src_v)
    pltpu.sync_copy(dstA.at[s], dst_v)
    plsc.subcore_barrier()

    def chunk(j, carry):
        pltpu.async_copy(x2.at[src_v.at[j]], rowbuf, sem).wait()
        pltpu.sync_copy(rowbuf, acc.at[dst_v.at[j]], add=True)
        return carry

    lax.fori_loop(0, NCH_A, chunk, 0)
    plsc.subcore_barrier()
    pltpu.sync_copy(acc.at[pl.ds(r0, ROWS_PER_TILE)],
                    agg.at[c, pl.ds(r0, ROWS_PER_TILE)])


@functools.partial(
    pl.kernel,
    out_type=[jax.ShapeDtypeStruct((NC * NS, NCH_D, CHUNK), jnp.float32),
              jax.ShapeDtypeStruct((NC * NS, NCH_D, CHUNK), jnp.float32)],
    mesh=_mesh,
    scratch_types=[
        pltpu.VMEM((2 * N,), jnp.float32),
        pltpu.VMEM((NCH_D, CHUNK), jnp.int32),
        pltpu.VMEM((NCH_D, CHUNK), jnp.int32),
        pltpu.VMEM((NCH_D, CHUNK), jnp.float32),
        pltpu.VMEM((NCH_D, CHUNK), jnp.float32),
    ],
    compiler_params=pltpu.CompilerParams(needs_layout_passes=False),
)
def _lub(fvf, s2, d2, exo, eyo, fv_v, s_v, d_v, ex_v, ey_v):
    c = lax.axis_index("c")
    s = lax.axis_index("s")
    w = s * NC + c
    pltpu.sync_copy(fvf, fv_v)
    pltpu.sync_copy(s2.at[w], s_v)
    pltpu.sync_copy(d2.at[w], d_v)

    def step(j, carry):
        for k in range(CHUNK // L):
            sl = pl.ds(k * L, L)
            si = s_v[j, sl]
            di = d_v[j, sl]
            ex = jnp.maximum(plsc.load_gather(fv_v, [si]),
                             plsc.load_gather(fv_v, [di])) + LUB_EPS
            ey = jnp.maximum(plsc.load_gather(fv_v, [si + 1]),
                             plsc.load_gather(fv_v, [di + 1])) + LUB_EPS
            ex_v[j, sl] = ex
            ey_v[j, sl] = ey
        return carry

    lax.fori_loop(0, NCH_D, step, 0)
    pltpu.sync_copy(ex_v, exo.at[w])
    pltpu.sync_copy(ey_v, eyo.at[w])


R = 400


def _leaky(h):
    return jnp.where(h >= 0, h, 0.01 * h)


def _mlp_body(scale_ref, x_ref, a_ref, W1_ref, b1_ref, W2_ref, b2_ref, o_ref):
    t = x_ref[...] * scale_ref[0, 0] + jnp.concatenate(
        [a_ref[0], a_ref[1]], axis=-1)
    h = jnp.dot(t, W1_ref[...], preferred_element_type=jnp.float32)
    h = _leaky(h + b1_ref[...])
    h = jnp.dot(h, W2_ref[...], preferred_element_type=jnp.float32)
    o_ref[...] = _leaky(h + b2_ref[...])


_mlp = pl.pallas_call(
    _mlp_body,
    grid=(N // R,),
    in_specs=[
        pl.BlockSpec((1, 1), lambda i: (0, 0)),
        pl.BlockSpec((R, D), lambda i: (i, 0)),
        pl.BlockSpec((2, R, 128), lambda i: (0, i, 0)),
        pl.BlockSpec((D, D), lambda i: (0, 0)),
        pl.BlockSpec((1, D), lambda i: (0, 0)),
        pl.BlockSpec((D, D), lambda i: (0, 0)),
        pl.BlockSpec((1, D), lambda i: (0, 0)),
    ],
    out_specs=pl.BlockSpec((R, D), lambda i: (i, 0)),
    out_shape=jax.ShapeDtypeStruct((N, D), jnp.float32),
)


def _head_body(scale_ref, x_ref, a_ref, W1_ref, b1_ref, W2_ref, b2_ref,
               Wh_ref, bh_ref, o_ref):
    t = x_ref[...] * scale_ref[0, 0] + jnp.concatenate(
        [a_ref[0], a_ref[1]], axis=-1)
    h = jnp.dot(t, W1_ref[...], preferred_element_type=jnp.float32)
    h = _leaky(h + b1_ref[...])
    h = jnp.dot(h, W2_ref[...], preferred_element_type=jnp.float32)
    h = _leaky(h + b2_ref[...])
    f = jnp.dot(h, Wh_ref[...], preferred_element_type=jnp.float32)
    o_ref[...] = jax.nn.sigmoid(f + bh_ref[...])


_head = pl.pallas_call(
    _head_body,
    grid=(N // R,),
    in_specs=[
        pl.BlockSpec((1, 1), lambda i: (0, 0)),
        pl.BlockSpec((R, D), lambda i: (i, 0)),
        pl.BlockSpec((2, R, 128), lambda i: (0, i, 0)),
        pl.BlockSpec((D, D), lambda i: (0, 0)),
        pl.BlockSpec((1, D), lambda i: (0, 0)),
        pl.BlockSpec((D, D), lambda i: (0, 0)),
        pl.BlockSpec((1, D), lambda i: (0, 0)),
        pl.BlockSpec((D, 2), lambda i: (0, 0)),
        pl.BlockSpec((1, 2), lambda i: (0, 0)),
    ],
    out_specs=pl.BlockSpec((R, 2), lambda i: (i, 0)),
    out_shape=jax.ShapeDtypeStruct((N, 2), jnp.float32),
)


def kernel(x, edge_index, W11, b11, W12, b12, W21, b21, W22, b22, Wh, bh,
           eps1, eps2):
    src = edge_index[0]
    dst = edge_index[1]
    pad = EPAD - E
    srcp = jnp.concatenate([src, jnp.zeros((pad,), jnp.int32)])
    dstp_a = jnp.concatenate([dst, jnp.full((pad,), N, jnp.int32)])
    dstp_d = jnp.concatenate([dst, jnp.zeros((pad,), jnp.int32)])

    s2 = 2 * srcp
    src2x = jnp.stack([s2, s2 + 1]).reshape(2, NS, NCH_A, CHUNK)
    dstA = dstp_a.reshape(NS, NCH_A, CHUNK)
    s2D = s2.reshape(NC * NS, NCH_D, CHUNK)
    d2D = (2 * dstp_d).reshape(NC * NS, NCH_D, CHUNK)
    zrows = jnp.zeros((ROWS_PER_TILE, 128), jnp.float32)

    agg1 = _segsum(x.reshape(2 * N, 128), src2x, dstA, zrows)
    h1 = _mlp((1.0 + eps1).reshape(1, 1), x, agg1,
              W11, b11.reshape(1, D), W12, b12.reshape(1, D))
    agg2 = _segsum(h1.reshape(2 * N, 128), src2x, dstA, zrows)
    fv = _head((1.0 + eps2).reshape(1, 1), h1, agg2,
               W21, b21.reshape(1, D), W22, b22.reshape(1, D),
               Wh, bh.reshape(1, 2))
    ex, ey = _lub(fv.reshape(-1), s2D, d2D)
    fe = jnp.stack([ex.reshape(-1)[:E], ey.reshape(-1)[:E]], axis=1)
    return jnp.concatenate([fv, fe], axis=0)

# --- scband reference (transcript-rebuilt; emitter-appended) ---
"""Pipeline reference for scband-gin-filt-head-3624952397859 (READ-ONLY COPY).

The authoritative reference and input builder live on the scoring server;
editing this copy changes nothing except your own understanding.
"""

import jax, jax.numpy as jnp
import numpy as np

EPS = 0.0001
N = 10000
E = 160000
D = 256

def _leaky(h):
    return jnp.where(h >= 0, h, 0.01 * h)

def _gin_conv(x, src, dst, eps, W1, b1, W2, b2):
    # GIN aggregation: sum of neighbor features scattered to dst nodes
    agg = jax.ops.segment_sum(x[src], dst, num_segments=N)
    h = (1.0 + eps) * x + agg
    h = _leaky(h @ W1 + b1)
    return h @ W2 + b2

def _compute_lub(f_v, edges):
    # least-upper-bound filtration lift from vertices to edges (see compute_lub)
    e_x = jnp.max(f_v[:, 0][edges], axis=1)
    e_y = jnp.max(f_v[:, 1][edges], axis=1)
    f_e = jnp.stack([e_x, e_y], axis=1) + EPS
    return jnp.concatenate([f_v, f_e], axis=0)

def setup_inputs(seed: int = 0) -> dict:
    key = jax.random.key(seed)
    ks = jax.random.split(key, 12)
    s = 1.0 / np.sqrt(D)
    return {
        "x": jax.random.normal(ks[0], (N, D), dtype=jnp.float32),
        "edge_index": jax.random.randint(ks[1], (2, E), 0, N, dtype=jnp.int32),
        "W11": jax.random.normal(ks[2], (D, D), dtype=jnp.float32) * s,
        "b11": jnp.zeros((D,), dtype=jnp.float32),
        "W12": jax.random.normal(ks[3], (D, D), dtype=jnp.float32) * s,
        "b12": jnp.zeros((D,), dtype=jnp.float32),
        "W21": jax.random.normal(ks[4], (D, D), dtype=jnp.float32) * s,
        "b21": jnp.zeros((D,), dtype=jnp.float32),
        "W22": jax.random.normal(ks[5], (D, D), dtype=jnp.float32) * s,
        "b22": jnp.zeros((D,), dtype=jnp.float32),
        "Wh": jax.random.normal(ks[6], (D, 2), dtype=jnp.float32) * s,
        "bh": jnp.zeros((2,), dtype=jnp.float32),
        "eps1": jnp.zeros((), dtype=jnp.float32),
        "eps2": jnp.zeros((), dtype=jnp.float32),
    }

def reference(x, edge_index, W11, b11, W12, b12, W21, b21, W22, b22, Wh, bh, eps1, eps2):
    src = edge_index[0]
    dst = edge_index[1]
    h = _leaky(_gin_conv(x, src, dst, eps1, W11, b11, W12, b12))
    h = _leaky(_gin_conv(h, src, dst, eps2, W21, b21, W22, b22))
    f_v = jax.nn.sigmoid(h @ Wh + bh)  # per-vertex 2-parameter filtration values
    edges = edge_index.T  # [E, 2]
    return _compute_lub(f_v, edges)  # [N + E, 2]

if __name__ == "__main__":
    import jax
    _d = setup_inputs()
    print(jax.jit(kernel)(*tuple(_d.values())))

</pallas_src>

<mosaic_0001>
#map = affine_map<(d0, d1) -> (0, 0)>
#map1 = affine_map<(d0, d1) -> (0, 0, 0, 0)>
#map2 = affine_map<(d0, d1) -> (0, 0, 0)>
module attributes {stable_mosaic.version = 14 : i64} {
  func.func @_segsum(%arg0: i32, %arg1: i32, %arg2: memref<20000x128xf32, #tpu.memory_space<hbm>>, %arg3: memref<2x16x80x128xi32, #tpu.memory_space<hbm>>, %arg4: memref<16x80x128xi32, #tpu.memory_space<hbm>>, %arg5: memref<656x128xf32, #tpu.memory_space<hbm>>, %arg6: memref<2x10496x128xf32, #tpu.memory_space<hbm>>, %arg7: memref<10496x128xf32, #tpu.memory_space<vmem_shared>>, %arg8: memref<80x128xi32, #tpu.memory_space<vmem>>, %arg9: memref<80x128xi32, #tpu.memory_space<vmem>>, %arg10: memref<128x128xf32, #tpu.memory_space<vmem>>, %arg11: memref<!tpu.dma_semaphore, #tpu.memory_space<semaphore_mem>>) attributes {dimension_semantics = [#tpu.dimension_semantics<core_parallel>, #tpu.dimension_semantics<subcore_parallel>], iteration_bounds = array<i64: 2, 16>, scalar_prefetch = 0 : i64, scratch_operands = 5 : i64, tpu.core_type = #tpu.core_type<sc_vector_subcore>, window_params = [{transform_indices = #map}, {transform_indices = #map1}, {transform_indices = #map2}, {transform_indices = #map}, {transform_indices = #map2}]} {
    %mul3A = arith.constant 656 : i32
    %mul3A_0 = arith.muli %arg1, %mul3A : i32
    "tpu.region"() ({
      %run_scoped3A = tpu.sem_alloc : memref<!tpu.dma_semaphore, #tpu.memory_space<semaphore_mem>>
      %dma_start3A = arith.constant 0 : i32
      %dma_start3A_7 = tpu.memref_slice %arg7[%mul3A_0, %dma_start3A] : memref<10496x128xf32, #tpu.memory_space<vmem_shared>> -> memref<656x128xf32, #tpu.memory_space<vmem_shared>>
      tpu.enqueue_dma source(%arg5 : memref<656x128xf32, #tpu.memory_space<hbm>>) target(%dma_start3A_7 : memref<656x128xf32, #tpu.memory_space<vmem_shared>>) target_semaphore(%run_scoped3A : memref<!tpu.dma_semaphore, #tpu.memory_space<semaphore_mem>>)
      %dma_wait3A = arith.constant 0 : i32
      %dma_wait3A_8 = tpu.memref_slice %arg7[%mul3A_0, %dma_wait3A] : memref<10496x128xf32, #tpu.memory_space<vmem_shared>> -> memref<656x128xf32, #tpu.memory_space<vmem_shared>>
      tpu.wait_dma2 semaphore(%run_scoped3A : memref<!tpu.dma_semaphore, #tpu.memory_space<semaphore_mem>>) src(%arg5 : memref<656x128xf32, #tpu.memory_space<hbm>>) dst(%dma_wait3A_8 : memref<656x128xf32, #tpu.memory_space<vmem_shared>>)
      tpu.yield
    }) : () -> ()
    "tpu.region"() ({
      %run_scoped3A = tpu.sem_alloc : memref<!tpu.dma_semaphore, #tpu.memory_space<semaphore_mem>>
      %dma_start3A = arith.constant 0 : i32
      %dma_start3A_7 = arith.constant 0 : i32
      %dma_start3A_8 = tpu.memref_slice %arg3[%arg0, %arg1, %dma_start3A, %dma_start3A_7] : memref<2x16x80x128xi32, #tpu.memory_space<hbm>> -> memref<1x1x80x128xi32, #tpu.memory_space<hbm>>
      %dma_start3A_9 = tpu.memref_squeeze %dma_start3A_8 : memref<1x1x80x128xi32, #tpu.memory_space<hbm>> -> memref<80x128xi32, #tpu.memory_space<hbm>>
      %dma_start3A_10 = arith.constant 0 : i32
      %dma_start3A_11 = arith.constant 0 : i32
      %dma_start3A_12 = tpu.memref_slice %arg3[%arg0, %arg1, %dma_start3A_10, %dma_start3A_11] : memref<2x16x80x128xi32, #tpu.memory_space<hbm>> -> memref<1x1x80x128xi32, #tpu.memory_space<hbm>>
      %dma_start3A_13 = tpu.memref_squeeze %dma_start3A_12 : memref<1x1x80x128xi32, #tpu.memory_space<hbm>> -> memref<80x128xi32, #tpu.memory_space<hbm>>
      tpu.enqueue_dma source(%dma_start3A_13 : memref<80x128xi32, #tpu.memory_space<hbm>>) target(%arg8 : memref<80x128xi32, #tpu.memory_space<vmem>>) target_semaphore(%run_scoped3A : memref<!tpu.dma_semaphore, #tpu.memory_space<semaphore_mem>>)
      %dma_wait3A = arith.constant 0 : i32
      %dma_wait3A_14 = arith.constant 0 : i32
      %dma_wait3A_15 = tpu.memref_slice %arg3[%arg0, %arg1, %dma_wait3A, %dma_wait3A_14] : memref<2x16x80x128xi32, #tpu.memory_space<hbm>> -> memref<1x1x80x128xi32, #tpu.memory_space<hbm>>
      %dma_wait3A_16 = tpu.memref_squeeze %dma_wait3A_15 : memref<1x1x80x128xi32, #tpu.memory_space<hbm>> -> memref<80x128xi32, #tpu.memory_space<hbm>>
      %dma_wait3A_17 = arith.constant 0 : i32
      %dma_wait3A_18 = arith.constant 0 : i32
      %dma_wait3A_19 = tpu.memref_slice %arg3[%arg0, %arg1, %dma_wait3A_17, %dma_wait3A_18] : memref<2x16x80x128xi32, #tpu.memory_space<hbm>> -> memref<1x1x80x128xi32, #tpu.memory_space<hbm>>
      %dma_wait3A_20 = tpu.memref_squeeze %dma_wait3A_19 : memref<1x1x80x128xi32, #tpu.memory_space<hbm>> -> memref<80x128xi32, #tpu.memory_space<hbm>>
      tpu.wait_dma2 semaphore(%run_scoped3A : memref<!tpu.dma_semaphore, #tpu.memory_space<semaphore_mem>>) src(%dma_wait3A_20 : memref<80x128xi32, #tpu.memory_space<hbm>>) dst(%arg8 : memref<80x128xi32, #tpu.memory_space<vmem>>)
      tpu.yield
    }) : () -> ()
    "tpu.region"() ({
      %run_scoped3A = tpu.sem_alloc : memref<!tpu.dma_semaphore, #tpu.memory_space<semaphore_mem>>
      %dma_start3A = arith.constant 0 : i32
      %dma_start3A_7 = arith.constant 0 : i32
      %dma_start3A_8 = tpu.memref_slice %arg4[%arg1, %dma_start3A, %dma_start3A_7] : memref<16x80x128xi32, #tpu.memory_space<hbm>> -> memref<1x80x128xi32, #tpu.memory_space<hbm>>
      %dma_start3A_9 = tpu.memref_squeeze %dma_start3A_8 : memref<1x80x128xi32, #tpu.memory_space<hbm>> -> memref<80x128xi32, #tpu.memory_space<hbm>>
      %dma_start3A_10 = arith.constant 0 : i32
      %dma_start3A_11 = arith.constant 0 : i32
      %dma_start3A_12 = tpu.memref_slice %arg4[%arg1, %dma_start3A_10, %dma_start3A_11] : memref<16x80x128xi32, #tpu.memory_space<hbm>> -> memref<1x80x128xi32, #tpu.memory_space<hbm>>
      %dma_start3A_13 = tpu.memref_squeeze %dma_start3A_12 : memref<1x80x128xi32, #tpu.memory_space<hbm>> -> memref<80x128xi32, #tpu.memory_space<hbm>>
      tpu.enqueue_dma source(%dma_start3A_13 : memref<80x128xi32, #tpu.memory_space<hbm>>) target(%arg9 : memref<80x128xi32, #tpu.memory_space<vmem>>) target_semaphore(%run_scoped3A : memref<!tpu.dma_semaphore, #tpu.memory_space<semaphore_mem>>)
      %dma_wait3A = arith.constant 0 : i32
      %dma_wait3A_14 = arith.constant 0 : i32
      %dma_wait3A_15 = tpu.memref_slice %arg4[%arg1, %dma_wait3A, %dma_wait3A_14] : memref<16x80x128xi32, #tpu.memory_space<hbm>> -> memref<1x80x128xi32, #tpu.memory_space<hbm>>
      %dma_wait3A_16 = tpu.memref_squeeze %dma_wait3A_15 : memref<1x80x128xi32, #tpu.memory_space<hbm>> -> memref<80x128xi32, #tpu.memory_space<hbm>>
      %dma_wait3A_17 = arith.constant 0 : i32
      %dma_wait3A_18 = arith.constant 0 : i32
      %dma_wait3A_19 = tpu.memref_slice %arg4[%arg1, %dma_wait3A_17, %dma_wait3A_18] : memref<16x80x128xi32, #tpu.memory_space<hbm>> -> memref<1x80x128xi32, #tpu.memory_space<hbm>>
      %dma_wait3A_20 = tpu.memref_squeeze %dma_wait3A_19 : memref<1x80x128xi32, #tpu.memory_space<hbm>> -> memref<80x128xi32, #tpu.memory_space<hbm>>
      tpu.wait_dma2 semaphore(%run_scoped3A : memref<!tpu.dma_semaphore, #tpu.memory_space<semaphore_mem>>) src(%dma_wait3A_20 : memref<80x128xi32, #tpu.memory_space<hbm>>) dst(%arg9 : memref<80x128xi32, #tpu.memory_space<vmem>>)
      tpu.yield
    }) : () -> ()
    %barrier3A = arith.constant 0 : index
    tpu.barrier barrier_id(%barrier3A)
    %scan3A = arith.constant 0 : i32
    %scan3A_1 = arith.constant 0 : i32
    %scan3A_2 = arith.constant 80 : i32
    %scan3A_3 = arith.addi %scan3A_1, %scan3A_2 : i32
    %scan3A_4 = arith.constant 1 : i32
    scf.for %scan3A_7 = %scan3A_1 to %scan3A_3 step %scan3A_4  : i32 {
      %dma_start3A = arith.constant 0 : i32
      %dma_start3A_8 = tpu.memref_slice %arg8[%scan3A_7, %dma_start3A] : memref<80x128xi32, #tpu.memory_space<vmem>> -> memref<1x128xi32, #tpu.memory_space<vmem>>
      %dma_start3A_9 = tpu.memref_squeeze %dma_start3A_8 : memref<1x128xi32, #tpu.memory_space<vmem>> -> memref<128xi32, #tpu.memory_space<vmem>>
      %dma_start3A_10 = arith.constant 0 : i32
      %dma_start3A_11 = arith.constant 0 : i32
      %dma_start3A_12 = tpu.memref_slice %arg2[%dma_start3A_10, %dma_start3A_11] : memref<20000x128xf32, #tpu.memory_space<hbm>> -> memref<20000x128xf32, #tpu.memory_space<hbm>>
      tpu.enqueue_indirect_dma source(%dma_start3A_12 : memref<20000x128xf32, #tpu.memory_space<hbm>>) target(%arg10 : memref<128x128xf32, #tpu.memory_space<vmem>>) offsets(%dma_start3A_9 : memref<128xi32, #tpu.memory_space<vmem>>) semaphore(%arg11 : memref<!tpu.dma_semaphore, #tpu.memory_space<semaphore_mem>>)
      %dma_wait3A = arith.constant 0 : i32
      %dma_wait3A_13 = tpu.memref_slice %arg8[%scan3A_7, %dma_wait3A] : memref<80x128xi32, #tpu.memory_space<vmem>> -> memref<1x128xi32, #tpu.memory_space<vmem>>
      %dma_wait3A_14 = tpu.memref_squeeze %dma_wait3A_13 : memref<1x128xi32, #tpu.memory_space<vmem>> -> memref<128xi32, #tpu.memory_space<vmem>>
      %dma_wait3A_15 = arith.constant 0 : i32
      %dma_wait3A_16 = arith.constant 0 : i32
      %dma_wait3A_17 = tpu.memref_slice %arg2[%dma_wait3A_15, %dma_wait3A_16] : memref<20000x128xf32, #tpu.memory_space<hbm>> -> memref<20000x128xf32, #tpu.memory_space<hbm>>
      tpu.wait_indirect_dma semaphore(%arg11 : memref<!tpu.dma_semaphore, #tpu.memory_space<semaphore_mem>>) src(%dma_wait3A_17 : memref<20000x128xf32, #tpu.memory_space<hbm>>) dst(%arg10 : memref<128x128xf32, #tpu.memory_space<vmem>>)
      "tpu.region"() ({
        %run_scoped3A = tpu.sem_alloc : memref<!tpu.dma_semaphore, #tpu.memory_space<semaphore_mem>>
        %dma_start3A_18 = arith.constant 0 : i32
        %dma_start3A_19 = tpu.memref_slice %arg9[%scan3A_7, %dma_start3A_18] : memref<80x128xi32, #tpu.memory_space<vmem>> -> memref<1x128xi32, #tpu.memory_space<vmem>>
        %dma_start3A_20 = tpu.memref_squeeze %dma_start3A_19 : memref<1x128xi32, #tpu.memory_space<vmem>> -> memref<128xi32, #tpu.memory_space<vmem>>
        %dma_start3A_21 = arith.constant 0 : i32
        %dma_start3A_22 = arith.constant 0 : i32
        %dma_start3A_23 = tpu.memref_slice %arg7[%dma_start3A_21, %dma_start3A_22] : memref<10496x128xf32, #tpu.memory_space<vmem_shared>> -> memref<10496x128xf32, #tpu.memory_space<vmem_shared>>
        tpu.enqueue_indirect_dma source(%arg10 : memref<128x128xf32, #tpu.memory_space<vmem>>) target(%dma_start3A_23 : memref<10496x128xf32, #tpu.memory_space<vmem_shared>>) offsets(%dma_start3A_20 : memref<128xi32, #tpu.memory_space<vmem>>) semaphore(%run_scoped3A : memref<!tpu.dma_semaphore, #tpu.memory_space<semaphore_mem>>) {add = true}
        %dma_wait3A_24 = arith.constant 0 : i32
        %dma_wait3A_25 = tpu.memref_slice %arg9[%scan3A_7, %dma_wait3A_24] : memref<80x128xi32, #tpu.memory_space<vmem>> -> memref<1x128xi32, #tpu.memory_space<vmem>>
        %dma_wait3A_26 = tpu.memref_squeeze %dma_wait3A_25 : memref<1x128xi32, #tpu.memory_space<vmem>> -> memref<128xi32, #tpu.memory_space<vmem>>
        %dma_wait3A_27 = arith.constant 0 : i32
        %dma_wait3A_28 = arith.constant 0 : i32
        %dma_wait3A_29 = tpu.memref_slice %arg7[%dma_wait3A_27, %dma_wait3A_28] : memref<10496x128xf32, #tpu.memory_space<vmem_shared>> -> memref<10496x128xf32, #tpu.memory_space<vmem_shared>>
        tpu.wait_indirect_dma semaphore(%run_scoped3A : memref<!tpu.dma_semaphore, #tpu.memory_space<semaphore_mem>>) src(%arg10 : memref<128x128xf32, #tpu.memory_space<vmem>>) dst(%dma_wait3A_29 : memref<10496x128xf32, #tpu.memory_space<vmem_shared>>)
        tpu.yield
      }) : () -> ()
    }
    %scan3A_5 = arith.constant 80 : i32
    %barrier3A_6 = arith.constant 0 : index
    tpu.barrier barrier_id(%barrier3A_6)
    "tpu.region"() ({
      %run_scoped3A = tpu.sem_alloc : memref<!tpu.dma_semaphore, #tpu.memory_space<semaphore_mem>>
      %dma_start3A = arith.constant 0 : i32
      %dma_start3A_7 = tpu.memref_slice %arg6[%arg0, %mul3A_0, %dma_start3A] : memref<2x10496x128xf32, #tpu.memory_space<hbm>> -> memref<1x656x128xf32, #tpu.memory_space<hbm>>
      %dma_start3A_8 = tpu.memref_squeeze %dma_start3A_7 : memref<1x656x128xf32, #tpu.memory_space<hbm>> -> memref<656x128xf32, #tpu.memory_space<hbm>>
      %dma_start3A_9 = arith.constant 0 : i32
      %dma_start3A_10 = tpu.memref_slice %arg7[%mul3A_0, %dma_start3A_9] : memref<10496x128xf32, #tpu.memory_space<vmem_shared>> -> memref<656x128xf32, #tpu.memory_space<vmem_shared>>
      tpu.enqueue_dma source(%dma_start3A_10 : memref<656x128xf32, #tpu.memory_space<vmem_shared>>) target(%dma_start3A_8 : memref<656x128xf32, #tpu.memory_space<hbm>>) target_semaphore(%run_scoped3A : memref<!tpu.dma_semaphore, #tpu.memory_space<semaphore_mem>>)
      %dma_wait3A = arith.constant 0 : i32
      %dma_wait3A_11 = tpu.memref_slice %arg6[%arg0, %mul3A_0, %dma_wait3A] : memref<2x10496x128xf32, #tpu.memory_space<hbm>> -> memref<1x656x128xf32, #tpu.memory_space<hbm>>
      %dma_wait3A_12 = tpu.memref_squeeze %dma_wait3A_11 : memref<1x656x128xf32, #tpu.memory_space<hbm>> -> memref<656x128xf32, #tpu.memory_space<hbm>>
      %dma_wait3A_13 = arith.constant 0 : i32
      %dma_wait3A_14 = tpu.memref_slice %arg7[%mul3A_0, %dma_wait3A_13] : memref<10496x128xf32, #tpu.memory_space<vmem_shared>> -> memref<656x128xf32, #tpu.memory_space<vmem_shared>>
      tpu.wait_dma2 semaphore(%run_scoped3A : memref<!tpu.dma_semaphore, #tpu.memory_space<semaphore_mem>>) src(%dma_wait3A_14 : memref<656x128xf32, #tpu.memory_space<vmem_shared>>) dst(%dma_wait3A_12 : memref<656x128xf32, #tpu.memory_space<hbm>>)
      tpu.yield
    }) : () -> ()
    return
  }
}

#map = affine_map<(d0, d1) -> (0)>
#map1 = affine_map<(d0, d1) -> (0, 0, 0)>
module attributes {stable_mosaic.version = 14 : i64} {
  func.func @_lub(%arg0: i32, %arg1: i32, %arg2: memref<20000xf32, #tpu.memory_space<hbm>>, %arg3: memref<32x40x128xi32, #tpu.memory_space<hbm>>, %arg4: memref<32x40x128xi32, #tpu.memory_space<hbm>>, %arg5: memref<32x40x128xf32, #tpu.memory_space<hbm>>, %arg6: memref<32x40x128xf32, #tpu.memory_space<hbm>>, %arg7: memref<20000xf32, #tpu.memory_space<vmem>>, %arg8: memref<40x128xi32, #tpu.memory_space<vmem>>, %arg9: memref<40x128xi32, #tpu.memory_space<vmem>>, %arg10: memref<40x128xf32, #tpu.memory_space<vmem>>, %arg11: memref<40x128xf32, #tpu.memory_space<vmem>>) attributes {dimension_semantics = [#tpu.dimension_semantics<core_parallel>, #tpu.dimension_semantics<subcore_parallel>], iteration_bounds = array<i64: 2, 16>, scalar_prefetch = 0 : i64, scratch_operands = 5 : i64, tpu.core_type = #tpu.core_type<sc_vector_subcore>, window_params = [{transform_indices = #map}, {transform_indices = #map1}, {transform_indices = #map1}, {transform_indices = #map1}, {transform_indices = #map1}]} {
    %mul3A = arith.constant 2 : i32
    %mul3A_0 = arith.muli %arg1, %mul3A : i32
    %add3A = arith.addi %mul3A_0, %arg0 : i32
    "tpu.region"() ({
      %run_scoped3A = tpu.sem_alloc : memref<!tpu.dma_semaphore, #tpu.memory_space<semaphore_mem>>
      tpu.enqueue_dma source(%arg2 : memref<20000xf32, #tpu.memory_space<hbm>>) target(%arg7 : memref<20000xf32, #tpu.memory_space<vmem>>) target_semaphore(%run_scoped3A : memref<!tpu.dma_semaphore, #tpu.memory_space<semaphore_mem>>)
      tpu.wait_dma2 semaphore(%run_scoped3A : memref<!tpu.dma_semaphore, #tpu.memory_space<semaphore_mem>>) src(%arg2 : memref<20000xf32, #tpu.memory_space<hbm>>) dst(%arg7 : memref<20000xf32, #tpu.memory_space<vmem>>)
      tpu.yield
    }) : () -> ()
    "tpu.region"() ({
      %run_scoped3A = tpu.sem_alloc : memref<!tpu.dma_semaphore, #tpu.memory_space<semaphore_mem>>
      %dma_start3A = arith.constant 0 : i32
      %dma_start3A_6 = arith.constant 0 : i32
      %dma_start3A_7 = tpu.memref_slice %arg3[%add3A, %dma_start3A, %dma_start3A_6] : memref<32x40x128xi32, #tpu.memory_space<hbm>> -> memref<1x40x128xi32, #tpu.memory_space<hbm>>
      %dma_start3A_8 = tpu.memref_squeeze %dma_start3A_7 : memref<1x40x128xi32, #tpu.memory_space<hbm>> -> memref<40x128xi32, #tpu.memory_space<hbm>>
      %dma_start3A_9 = arith.constant 0 : i32
      %dma_start3A_10 = arith.constant 0 : i32
      %dma_start3A_11 = tpu.memref_slice %arg3[%add3A, %dma_start3A_9, %dma_start3A_10] : memref<32x40x128xi32, #tpu.memory_space<hbm>> -> memref<1x40x128xi32, #tpu.memory_space<hbm>>
      %dma_start3A_12 = tpu.memref_squeeze %dma_start3A_11 : memref<1x40x128xi32, #tpu.memory_space<hbm>> -> memref<40x128xi32, #tpu.memory_space<hbm>>
      tpu.enqueue_dma source(%dma_start3A_12 : memref<40x128xi32, #tpu.memory_space<hbm>>) target(%arg8 : memref<40x128xi32, #tpu.memory_space<vmem>>) target_semaphore(%run_scoped3A : memref<!tpu.dma_semaphore, #tpu.memory_space<semaphore_mem>>)
      %dma_wait3A = arith.constant 0 : i32
      %dma_wait3A_13 = arith.constant 0 : i32
      %dma_wait3A_14 = tpu.memref_slice %arg3[%add3A, %dma_wait3A, %dma_wait3A_13] : memref<32x40x128xi32, #tpu.memory_space<hbm>> -> memref<1x40x128xi32, #tpu.memory_space<hbm>>
      %dma_wait3A_15 = tpu.memref_squeeze %dma_wait3A_14 : memref<1x40x128xi32, #tpu.memory_space<hbm>> -> memref<40x128xi32, #tpu.memory_space<hbm>>
      %dma_wait3A_16 = arith.constant 0 : i32
      %dma_wait3A_17 = arith.constant 0 : i32
      %dma_wait3A_18 = tpu.memref_slice %arg3[%add3A, %dma_wait3A_16, %dma_wait3A_17] : memref<32x40x128xi32, #tpu.memory_space<hbm>> -> memref<1x40x128xi32, #tpu.memory_space<hbm>>
      %dma_wait3A_19 = tpu.memref_squeeze %dma_wait3A_18 : memref<1x40x128xi32, #tpu.memory_space<hbm>> -> memref<40x128xi32, #tpu.memory_space<hbm>>
      tpu.wait_dma2 semaphore(%run_scoped3A : memref<!tpu.dma_semaphore, #tpu.memory_space<semaphore_mem>>) src(%dma_wait3A_19 : memref<40x128xi32, #tpu.memory_space<hbm>>) dst(%arg8 : memref<40x128xi32, #tpu.memory_space<vmem>>)
      tpu.yield
    }) : () -> ()
    "tpu.region"() ({
      %run_scoped3A = tpu.sem_alloc : memref<!tpu.dma_semaphore, #tpu.memory_space<semaphore_mem>>
      %dma_start3A = arith.constant 0 : i32
      %dma_start3A_6 = arith.constant 0 : i32
      %dma_start3A_7 = tpu.memref_slice %arg4[%add3A, %dma_start3A, %dma_start3A_6] : memref<32x40x128xi32, #tpu.memory_space<hbm>> -> memref<1x40x128xi32, #tpu.memory_space<hbm>>
      %dma_start3A_8 = tpu.memref_squeeze %dma_start3A_7 : memref<1x40x128xi32, #tpu.memory_space<hbm>> -> memref<40x128xi32, #tpu.memory_space<hbm>>
      %dma_start3A_9 = arith.constant 0 : i32
      %dma_start3A_10 = arith.constant 0 : i32
      %dma_start3A_11 = tpu.memref_slice %arg4[%add3A, %dma_start3A_9, %dma_start3A_10] : memref<32x40x128xi32, #tpu.memory_space<hbm>> -> memref<1x40x128xi32, #tpu.memory_space<hbm>>
      %dma_start3A_12 = tpu.memref_squeeze %dma_start3A_11 : memref<1x40x128xi32, #tpu.memory_space<hbm>> -> memref<40x128xi32, #tpu.memory_space<hbm>>
      tpu.enqueue_dma source(%dma_start3A_12 : memref<40x128xi32, #tpu.memory_space<hbm>>) target(%arg9 : memref<40x128xi32, #tpu.memory_space<vmem>>) target_semaphore(%run_scoped3A : memref<!tpu.dma_semaphore, #tpu.memory_space<semaphore_mem>>)
      %dma_wait3A = arith.constant 0 : i32
      %dma_wait3A_13 = arith.constant 0 : i32
      %dma_wait3A_14 = tpu.memref_slice %arg4[%add3A, %dma_wait3A, %dma_wait3A_13] : memref<32x40x128xi32, #tpu.memory_space<hbm>> -> memref<1x40x128xi32, #tpu.memory_space<hbm>>
      %dma_wait3A_15 = tpu.memref_squeeze %dma_wait3A_14 : memref<1x40x128xi32, #tpu.memory_space<hbm>> -> memref<40x128xi32, #tpu.memory_space<hbm>>
      %dma_wait3A_16 = arith.constant 0 : i32
      %dma_wait3A_17 = arith.constant 0 : i32
      %dma_wait3A_18 = tpu.memref_slice %arg4[%add3A, %dma_wait3A_16, %dma_wait3A_17] : memref<32x40x128xi32, #tpu.memory_space<hbm>> -> memref<1x40x128xi32, #tpu.memory_space<hbm>>
      %dma_wait3A_19 = tpu.memref_squeeze %dma_wait3A_18 : memref<1x40x128xi32, #tpu.memory_space<hbm>> -> memref<40x128xi32, #tpu.memory_space<hbm>>
      tpu.wait_dma2 semaphore(%run_scoped3A : memref<!tpu.dma_semaphore, #tpu.memory_space<semaphore_mem>>) src(%dma_wait3A_19 : memref<40x128xi32, #tpu.memory_space<hbm>>) dst(%arg9 : memref<40x128xi32, #tpu.memory_space<vmem>>)
      tpu.yield
    }) : () -> ()
    %scan3A = arith.constant 0 : i32
    %scan3A_1 = arith.constant 0 : i32
    %scan3A_2 = arith.constant 40 : i32
    %scan3A_3 = arith.addi %scan3A_1, %scan3A_2 : i32
    %scan3A_4 = arith.constant 1 : i32
    scf.for %scan3A_6 = %scan3A_1 to %scan3A_3 step %scan3A_4  : i32 {
      %get3A = arith.index_cast %scan3A_6 : i32 to index
      %get3A_7 = arith.constant 0 : index
      %get3A_8 = tpu.vector_load %arg8[%get3A, %get3A_7] {strides = array<i32>} : memref<40x128xi32, #tpu.memory_space<vmem>>, vector<16xi32>,
      %get3A_9 = arith.index_cast %scan3A_6 : i32 to index
      %get3A_10 = arith.constant 0 : index
      %get3A_11 = tpu.vector_load %arg9[%get3A_9, %get3A_10] {strides = array<i32>} : memref<40x128xi32, #tpu.memory_space<vmem>>, vector<16xi32>,
      %gather3A = tpu.vector_load_idx %arg7[%get3A_8] : memref<20000xf32, #tpu.memory_space<vmem>>[vector<16xi32>], vector<16xf32>,
      %gather3A_12 = tpu.vector_load_idx %arg7[%get3A_11] : memref<20000xf32, #tpu.memory_space<vmem>>[vector<16xi32>], vector<16xf32>,
      %max3A = arith.maximumf %gather3A, %gather3A_12 : vector<16xf32>
      %add3A_13 = arith.constant 9.99999974E-5 : f32
      %add3A_14 = vector.broadcast %add3A_13 : f32 to vector<16xf32>
      %add3A_15 = arith.addf %max3A, %add3A_14 : vector<16xf32>
      %add3A_16 = arith.constant 1 : i32
      %add3A_17 = vector.broadcast %add3A_16 : i32 to vector<16xi32>
      %add3A_18 = arith.addi %get3A_8, %add3A_17 : vector<16xi32>
      %gather3A_19 = tpu.vector_load_idx %arg7[%add3A_18] : memref<20000xf32, #tpu.memory_space<vmem>>[vector<16xi32>], vector<16xf32>,
      %add3A_20 = arith.constant 1 : i32
      %add3A_21 = vector.broadcast %add3A_20 : i32 to vector<16xi32>
      %add3A_22 = arith.addi %get3A_11, %add3A_21 : vector<16xi32>
      %gather3A_23 = tpu.vector_load_idx %arg7[%add3A_22] : memref<20000xf32, #tpu.memory_space<vmem>>[vector<16xi32>], vector<16xf32>,
      %max3A_24 = arith.maximumf %gather3A_19, %gather3A_23 : vector<16xf32>
      %add3A_25 = arith.constant 9.99999974E-5 : f32
      %add3A_26 = vector.broadcast %add3A_25 : f32 to vector<16xf32>
      %add3A_27 = arith.addf %max3A_24, %add3A_26 : vector<16xf32>
      %swap3A = arith.index_cast %scan3A_6 : i32 to index
      %swap3A_28 = arith.constant 0 : index
      %swap3A_29 = tpu.vector_load %arg10[%swap3A, %swap3A_28] {strides = array<i32>} : memref<40x128xf32, #tpu.memory_space<vmem>>, vector<16xf32>,
      tpu.vector_store %arg10[%swap3A, %swap3A_28], %add3A_15 {strides = array<i32>} : memref<40x128xf32, #tpu.memory_space<vmem>>, vector<16xf32>,
      %swap3A_30 = arith.index_cast %scan3A_6 : i32 to index
      %swap3A_31 = arith.constant 0 : index
      %swap3A_32 = tpu.vector_load %arg11[%swap3A_30, %swap3A_31] {strides = array<i32>} : memref<40x128xf32, #tpu.memory_space<vmem>>, vector<16xf32>,
      tpu.vector_store %arg11[%swap3A_30, %swap3A_31], %add3A_27 {strides = array<i32>} : memref<40x128xf32, #tpu.memory_space<vmem>>, vector<16xf32>,
      %get3A_33 = arith.index_cast %scan3A_6 : i32 to index
      %get3A_34 = arith.constant 16 : index
      %get3A_35 = tpu.vector_load %arg8[%get3A_33, %get3A_34] {strides = array<i32>} : memref<40x128xi32, #tpu.memory_space<vmem>>, vector<16xi32>,
      %get3A_36 = arith.index_cast %scan3A_6 : i32 to index
      %get3A_37 = arith.constant 16 : index
      %get3A_38 = tpu.vector_load %arg9[%get3A_36, %get3A_37] {strides = array<i32>} : memref<40x128xi32, #tpu.memory_space<vmem>>, vector<16xi32>,
      %gather3A_39 = tpu.vector_load_idx %arg7[%get3A_35] : memref<20000xf32, #tpu.memory_space<vmem>>[vector<16xi32>], vector<16xf32>,
      %gather3A_40 = tpu.vector_load_idx %arg7[%get3A_38] : memref<20000xf32, #tpu.memory_space<vmem>>[vector<16xi32>], vector<16xf32>,
      %max3A_41 = arith.maximumf %gather3A_39, %gather3A_40 : vector<16xf32>
      %add3A_42 = arith.constant 9.99999974E-5 : f32
      %add3A_43 = vector.broadcast %add3A_42 : f32 to vector<16xf32>
      %add3A_44 = arith.addf %max3A_41, %add3A_43 : vector<16xf32>
      %add3A_45 = arith.constant 1 : i32
      %add3A_46 = vector.broadcast %add3A_45 : i32 to vector<16xi32>
      %add3A_47 = arith.addi %get3A_35, %add3A_46 : vector<16xi32>
      %gather3A_48 = tpu.vector_load_idx %arg7[%add3A_47] : memref<20000xf32, #tpu.memory_space<vmem>>[vector<16xi32>], vector<16xf32>,
      %add3A_49 = arith.constant 1 : i32
      %add3A_50 = vector.broadcast %add3A_49 : i32 to vector<16xi32>
      %add3A_51 = arith.addi %get3A_38, %add3A_50 : vector<16xi32>
      %gather3A_52 = tpu.vector_load_idx %arg7[%add3A_51] : memref<20000xf32, #tpu.memory_space<vmem>>[vector<16xi32>], vector<16xf32>,
      %max3A_53 = arith.maximumf %gather3A_48, %gather3A_52 : vector<16xf32>
      %add3A_54 = arith.constant 9.99999974E-5 : f32
      %add3A_55 = vector.broadcast %add3A_54 : f32 to vector<16xf32>
      %add3A_56 = arith.addf %max3A_53, %add3A_55 : vector<16xf32>
      %swap3A_57 = arith.index_cast %scan3A_6 : i32 to index
      %swap3A_58 = arith.constant 16 : index
      %swap3A_59 = tpu.vector_load %arg10[%swap3A_57, %swap3A_58] {strides = array<i32>} : memref<40x128xf32, #tpu.memory_space<vmem>>, vector<16xf32>,
      tpu.vector_store %arg10[%swap3A_57, %swap3A_58], %add3A_44 {strides = array<i32>} : memref<40x128xf32, #tpu.memory_space<vmem>>, vector<16xf32>,
      %swap3A_60 = arith.index_cast %scan3A_6 : i32 to index
      %swap3A_61 = arith.constant 16 : index
      %swap3A_62 = tpu.vector_load %arg11[%swap3A_60, %swap3A_61] {strides = array<i32>} : memref<40x128xf32, #tpu.memory_space<vmem>>, vector<16xf32>,
      tpu.vector_store %arg11[%swap3A_60, %swap3A_61], %add3A_56 {strides = array<i32>} : memref<40x128xf32, #tpu.memory_space<vmem>>, vector<16xf32>,
      %get3A_63 = arith.index_cast %scan3A_6 : i32 to index
      %get3A_64 = arith.constant 32 : index
      %get3A_65 = tpu.vector_load %arg8[%get3A_63, %get3A_64] {strides = array<i32>} : memref<40x128xi32, #tpu.memory_space<vmem>>, vector<16xi32>,
      %get3A_66 = arith.index_cast %scan3A_6 : i32 to index
      %get3A_67 = arith.constant 32 : index
      %get3A_68 = tpu.vector_load %arg9[%get3A_66, %get3A_67] {strides = array<i32>} : memref<40x128xi32, #tpu.memory_space<vmem>>, vector<16xi32>,
      %gather3A_69 = tpu.vector_load_idx %arg7[%get3A_65] : memref<20000xf32, #tpu.memory_space<vmem>>[vector<16xi32>], vector<16xf32>,
      %gather3A_70 = tpu.vector_load_idx %arg7[%get3A_68] : memref<20000xf32, #tpu.memory_space<vmem>>[vector<16xi32>], vector<16xf32>,
      %max3A_71 = arith.maximumf %gather3A_69, %gather3A_70 : vector<16xf32>
      %add3A_72 = arith.constant 9.99999974E-5 : f32
      %add3A_73 = vector.broadcast %add3A_72 : f32 to vector<16xf32>
      %add3A_74 = arith.addf %max3A_71, %add3A_73 : vector<16xf32>
      %add3A_75 = arith.constant 1 : i32
      %add3A_76 = vector.broadcast %add3A_75 : i32 to vector<16xi32>
      %add3A_77 = arith.addi %get3A_65, %add3A_76 : vector<16xi32>
      %gather3A_78 = tpu.vector_load_idx %arg7[%add3A_77] : memref<20000xf32, #tpu.memory_space<vmem>>[vector<16xi32>], vector<16xf32>,
      %add3A_79 = arith.constant 1 : i32
      %add3A_80 = vector.broadcast %add3A_79 : i32 to vector<16xi32>
      %add3A_81 = arith.addi %get3A_68, %add3A_80 : vector<16xi32>
      %gather3A_82 = tpu.vector_load_idx %arg7[%add3A_81] : memref<20000xf32, #tpu.memory_space<vmem>>[vector<16xi32>], vector<16xf32>,
      %max3A_83 = arith.maximumf %gather3A_78, %gather3A_82 : vector<16xf32>
      %add3A_84 = arith.constant 9.99999974E-5 : f32
      %add3A_85 = vector.broadcast %add3A_84 : f32 to vector<16xf32>
      %add3A_86 = arith.addf %max3A_83, %add3A_85 : vector<16xf32>
      %swap3A_87 = arith.index_cast %scan3A_6 : i32 to index
      %swap3A_88 = arith.constant 32 : index
      %swap3A_89 = tpu.vector_load %arg10[%swap3A_87, %swap3A_88] {strides = array<i32>} : memref<40x128xf32, #tpu.memory_space<vmem>>, vector<16xf32>,
      tpu.vector_store %arg10[%swap3A_87, %swap3A_88], %add3A_74 {strides = array<i32>} : memref<40x128xf32, #tpu.memory_space<vmem>>, vector<16xf32>,
      %swap3A_90 = arith.index_cast %scan3A_6 : i32 to index
      %swap3A_91 = arith.constant 32 : index
      %swap3A_92 = tpu.vector_load %arg11[%swap3A_90, %swap3A_91] {strides = array<i32>} : memref<40x128xf32, #tpu.memory_space<vmem>>, vector<16xf32>,
      tpu.vector_store %arg11[%swap3A_90, %swap3A_91], %add3A_86 {strides = array<i32>} : memref<40x128xf32, #tpu.memory_space<vmem>>, vector<16xf32>,
      %get3A_93 = arith.index_cast %scan3A_6 : i32 to index
      %get3A_94 = arith.constant 48 : index
      %get3A_95 = tpu.vector_load %arg8[%get3A_93, %get3A_94] {strides = array<i32>} : memref<40x128xi32, #tpu.memory_space<vmem>>, vector<16xi32>,
      %get3A_96 = arith.index_cast %scan3A_6 : i32 to index
      %get3A_97 = arith.constant 48 : index
      %get3A_98 = tpu.vector_load %arg9[%get3A_96, %get3A_97] {strides = array<i32>} : memref<40x128xi32, #tpu.memory_space<vmem>>, vector<16xi32>,
      %gather3A_99 = tpu.vector_load_idx %arg7[%get3A_95] : memref<20000xf32, #tpu.memory_space<vmem>>[vector<16xi32>], vector<16xf32>,
      %gather3A_100 = tpu.vector_load_idx %arg7[%get3A_98] : memref<20000xf32, #tpu.memory_space<vmem>>[vector<16xi32>], vector<16xf32>,
      %max3A_101 = arith.maximumf %gather3A_99, %gather3A_100 : vector<16xf32>
      %add3A_102 = arith.constant 9.99999974E-5 : f32
      %add3A_103 = vector.broadcast %add3A_102 : f32 to vector<16xf32>
      %add3A_104 = arith.addf %max3A_101, %add3A_103 : vector<16xf32>
      %add3A_105 = arith.constant 1 : i32
      %add3A_106 = vector.broadcast %add3A_105 : i32 to vector<16xi32>
      %add3A_107 = arith.addi %get3A_95, %add3A_106 : vector<16xi32>
      %gather3A_108 = tpu.vector_load_idx %arg7[%add3A_107] : memref<20000xf32, #tpu.memory_space<vmem>>[vector<16xi32>], vector<16xf32>,
      %add3A_109 = arith.constant 1 : i32
      %add3A_110 = vector.broadcast %add3A_109 : i32 to vector<16xi32>
      %add3A_111 = arith.addi %get3A_98, %add3A_110 : vector<16xi32>
      %gather3A_112 = tpu.vector_load_idx %arg7[%add3A_111] : memref<20000xf32, #tpu.memory_space<vmem>>[vector<16xi32>], vector<16xf32>,
      %max3A_113 = arith.maximumf %gather3A_108, %gather3A_112 : vector<16xf32>
      %add3A_114 = arith.constant 9.99999974E-5 : f32
      %add3A_115 = vector.broadcast %add3A_114 : f32 to vector<16xf32>
      %add3A_116 = arith.addf %max3A_113, %add3A_115 : vector<16xf32>
      %swap3A_117 = arith.index_cast %scan3A_6 : i32 to index
      %swap3A_118 = arith.constant 48 : index
      %swap3A_119 = tpu.vector_load %arg10[%swap3A_117, %swap3A_118] {strides = array<i32>} : memref<40x128xf32, #tpu.memory_space<vmem>>, vector<16xf32>,
      tpu.vector_store %arg10[%swap3A_117, %swap3A_118], %add3A_104 {strides = array<i32>} : memref<40x128xf32, #tpu.memory_space<vmem>>, vector<16xf32>,
      %swap3A_120 = arith.index_cast %scan3A_6 : i32 to index
      %swap3A_121 = arith.constant 48 : index
      %swap3A_122 = tpu.vector_load %arg11[%swap3A_120, %swap3A_121] {strides = array<i32>} : memref<40x128xf32, #tpu.memory_space<vmem>>, vector<16xf32>,
      tpu.vector_store %arg11[%swap3A_120, %swap3A_121], %add3A_116 {strides = array<i32>} : memref<40x128xf32, #tpu.memory_space<vmem>>, vector<16xf32>,
      %get3A_123 = arith.index_cast %scan3A_6 : i32 to index
      %get3A_124 = arith.constant 64 : index
      %get3A_125 = tpu.vector_load %arg8[%get3A_123, %get3A_124] {strides = array<i32>} : memref<40x128xi32, #tpu.memory_space<vmem>>, vector<16xi32>,
      %get3A_126 = arith.index_cast %scan3A_6 : i32 to index
      %get3A_127 = arith.constant 64 : index
      %get3A_128 = tpu.vector_load %arg9[%get3A_126, %get3A_127] {strides = array<i32>} : memref<40x128xi32, #tpu.memory_space<vmem>>, vector<16xi32>,
      %gather3A_129 = tpu.vector_load_idx %arg7[%get3A_125] : memref<20000xf32, #tpu.memory_space<vmem>>[vector<16xi32>], vector<16xf32>,
      %gather3A_130 = tpu.vector_load_idx %arg7[%get3A_128] : memref<20000xf32, #tpu.memory_space<vmem>>[vector<16xi32>], vector<16xf32>,
      %max3A_131 = arith.maximumf %gather3A_129, %gather3A_130 : vector<16xf32>
      %add3A_132 = arith.constant 9.99999974E-5 : f32
      %add3A_133 = vector.broadcast %add3A_132 : f32 to vector<16xf32>
      %add3A_134 = arith.addf %max3A_131, %add3A_133 : vector<16xf32>
      %add3A_135 = arith.constant 1 : i32
      %add3A_136 = vector.broadcast %add3A_135 : i32 to vector<16xi32>
      %add3A_137 = arith.addi %get3A_125, %add3A_136 : vector<16xi32>
      %gather3A_138 = tpu.vector_load_idx %arg7[%add3A_137] : memref<20000xf32, #tpu.memory_space<vmem>>[vector<16xi32>], vector<16xf32>,
      %add3A_139 = arith.constant 1 : i32
      %add3A_140 = vector.broadcast %add3A_139 : i32 to vector<16xi32>
      %add3A_141 = arith.addi %get3A_128, %add3A_140 : vector<16xi32>
      %gather3A_142 = tpu.vector_load_idx %arg7[%add3A_141] : memref<20000xf32, #tpu.memory_space<vmem>>[vector<16xi32>], vector<16xf32>,
      %max3A_143 = arith.maximumf %gather3A_138, %gather3A_142 : vector<16xf32>
      %add3A_144 = arith.constant 9.99999974E-5 : f32
      %add3A_145 = vector.broadcast %add3A_144 : f32 to vector<16xf32>
      %add3A_146 = arith.addf %max3A_143, %add3A_145 : vector<16xf32>
      %swap3A_147 = arith.index_cast %scan3A_6 : i32 to index
      %swap3A_148 = arith.constant 64 : index
      %swap3A_149 = tpu.vector_load %arg10[%swap3A_147, %swap3A_148] {strides = array<i32>} : memref<40x128xf32, #tpu.memory_space<vmem>>, vector<16xf32>,
      tpu.vector_store %arg10[%swap3A_147, %swap3A_148], %add3A_134 {strides = array<i32>} : memref<40x128xf32, #tpu.memory_space<vmem>>, vector<16xf32>,
      %swap3A_150 = arith.index_cast %scan3A_6 : i32 to index
      %swap3A_151 = arith.constant 64 : index
      %swap3A_152 = tpu.vector_load %arg11[%swap3A_150, %swap3A_151] {strides = array<i32>} : memref<40x128xf32, #tpu.memory_space<vmem>>, vector<16xf32>,
      tpu.vector_store %arg11[%swap3A_150, %swap3A_151], %add3A_146 {strides = array<i32>} : memref<40x128xf32, #tpu.memory_space<vmem>>, vector<16xf32>,
      %get3A_153 = arith.index_cast %scan3A_6 : i32 to index
      %get3A_154 = arith.constant 80 : index
      %get3A_155 = tpu.vector_load %arg8[%get3A_153, %get3A_154] {strides = array<i32>} : memref<40x128xi32, #tpu.memory_space<vmem>>, vector<16xi32>,
      %get3A_156 = arith.index_cast %scan3A_6 : i32 to index
      %get3A_157 = arith.constant 80 : index
      %get3A_158 = tpu.vector_load %arg9[%get3A_156, %get3A_157] {strides = array<i32>} : memref<40x128xi32, #tpu.memory_space<vmem>>, vector<16xi32>,
      %gather3A_159 = tpu.vector_load_idx %arg7[%get3A_155] : memref<20000xf32, #tpu.memory_space<vmem>>[vector<16xi32>], vector<16xf32>,
      %gather3A_160 = tpu.vector_load_idx %arg7[%get3A_158] : memref<20000xf32, #tpu.memory_space<vmem>>[vector<16xi32>], vector<16xf32>,
      %max3A_161 = arith.maximumf %gather3A_159, %gather3A_160 : vector<16xf32>
      %add3A_162 = arith.constant 9.99999974E-5 : f32
      %add3A_163 = vector.broadcast %add3A_162 : f32 to vector<16xf32>
      %add3A_164 = arith.addf %max3A_161, %add3A_163 : vector<16xf32>
      %add3A_165 = arith.constant 1 : i32
      %add3A_166 = vector.broadcast %add3A_165 : i32 to vector<16xi32>
      %add3A_167 = arith.addi %get3A_155, %add3A_166 : vector<16xi32>
      %gather3A_168 = tpu.vector_load_idx %arg7[%add3A_167] : memref<20000xf32, #tpu.memory_space<vmem>>[vector<16xi32>], vector<16xf32>,
      %add3A_169 = arith.constant 1 : i32
      %add3A_170 = vector.broadcast %add3A_169 : i32 to vector<16xi32>
      %add3A_171 = arith.addi %get3A_158, %add3A_170 : vector<16xi32>
      %gather3A_172 = tpu.vector_load_idx %arg7[%add3A_171] : memref<20000xf32, #tpu.memory_space<vmem>>[vector<16xi32>], vector<16xf32>,
      %max3A_173 = arith.maximumf %gather3A_168, %gather3A_172 : vector<16xf32>
      %add3A_174 = arith.constant 9.99999974E-5 : f32
      %add3A_175 = vector.broadcast %add3A_174 : f32 to vector<16xf32>
      %add3A_176 = arith.addf %max3A_173, %add3A_175 : vector<16xf32>
      %swap3A_177 = arith.index_cast %scan3A_6 : i32 to index
      %swap3A_178 = arith.constant 80 : index
      %swap3A_179 = tpu.vector_load %arg10[%swap3A_177, %swap3A_178] {strides = array<i32>} : memref<40x128xf32, #tpu.memory_space<vmem>>, vector<16xf32>,
      tpu.vector_store %arg10[%swap3A_177, %swap3A_178], %add3A_164 {strides = array<i32>} : memref<40x128xf32, #tpu.memory_space<vmem>>, vector<16xf32>,
      %swap3A_180 = arith.index_cast %scan3A_6 : i32 to index
      %swap3A_181 = arith.constant 80 : index
      %swap3A_182 = tpu.vector_load %arg11[%swap3A_180, %swap3A_181] {strides = array<i32>} : memref<40x128xf32, #tpu.memory_space<vmem>>, vector<16xf32>,
      tpu.vector_store %arg11[%swap3A_180, %swap3A_181], %add3A_176 {strides = array<i32>} : memref<40x128xf32, #tpu.memory_space<vmem>>, vector<16xf32>,
      %get3A_183 = arith.index_cast %scan3A_6 : i32 to index
      %get3A_184 = arith.constant 96 : index
      %get3A_185 = tpu.vector_load %arg8[%get3A_183, %get3A_184] {strides = array<i32>} : memref<40x128xi32, #tpu.memory_space<vmem>>, vector<16xi32>,
      %get3A_186 = arith.index_cast %scan3A_6 : i32 to index
      %get3A_187 = arith.constant 96 : index
      %get3A_188 = tpu.vector_load %arg9[%get3A_186, %get3A_187] {strides = array<i32>} : memref<40x128xi32, #tpu.memory_space<vmem>>, vector<16xi32>,
      %gather3A_189 = tpu.vector_load_idx %arg7[%get3A_185] : memref<20000xf32, #tpu.memory_space<vmem>>[vector<16xi32>], vector<16xf32>,
      %gather3A_190 = tpu.vector_load_idx %arg7[%get3A_188] : memref<20000xf32, #tpu.memory_space<vmem>>[vector<16xi32>], vector<16xf32>,
      %max3A_191 = arith.maximumf %gather3A_189, %gather3A_190 : vector<16xf32>
      %add3A_192 = arith.constant 9.99999974E-5 : f32
      %add3A_193 = vector.broadcast %add3A_192 : f32 to vector<16xf32>
      %add3A_194 = arith.addf %max3A_191, %add3A_193 : vector<16xf32>
      %add3A_195 = arith.constant 1 : i32
      %add3A_196 = vector.broadcast %add3A_195 : i32 to vector<16xi32>
      %add3A_197 = arith.addi %get3A_185, %add3A_196 : vector<16xi32>
      %gather3A_198 = tpu.vector_load_idx %arg7[%add3A_197] : memref<20000xf32, #tpu.memory_space<vmem>>[vector<16xi32>], vector<16xf32>,
      %add3A_199 = arith.constant 1 : i32
      %add3A_200 = vector.broadcast %add3A_199 : i32 to vector<16xi32>
      %add3A_201 = arith.addi %get3A_188, %add3A_200 : vector<16xi32>
      %gather3A_202 = tpu.vector_load_idx %arg7[%add3A_201] : memref<20000xf32, #tpu.memory_space<vmem>>[vector<16xi32>], vector<16xf32>,
      %max3A_203 = arith.maximumf %gather3A_198, %gather3A_202 : vector<16xf32>
      %add3A_204 = arith.constant 9.99999974E-5 : f32
      %add3A_205 = vector.broadcast %add3A_204 : f32 to vector<16xf32>
      %add3A_206 = arith.addf %max3A_203, %add3A_205 : vector<16xf32>
      %swap3A_207 = arith.index_cast %scan3A_6 : i32 to index
      %swap3A_208 = arith.constant 96 : index
      %swap3A_209 = tpu.vector_load %arg10[%swap3A_207, %swap3A_208] {strides = array<i32>} : memref<40x128xf32, #tpu.memory_space<vmem>>, vector<16xf32>,
      tpu.vector_store %arg10[%swap3A_207, %swap3A_208], %add3A_194 {strides = array<i32>} : memref<40x128xf32, #tpu.memory_space<vmem>>, vector<16xf32>,
      %swap3A_210 = arith.index_cast %scan3A_6 : i32 to index
      %swap3A_211 = arith.constant 96 : index
      %swap3A_212 = tpu.vector_load %arg11[%swap3A_210, %swap3A_211] {strides = array<i32>} : memref<40x128xf32, #tpu.memory_space<vmem>>, vector<16xf32>,
      tpu.vector_store %arg11[%swap3A_210, %swap3A_211], %add3A_206 {strides = array<i32>} : memref<40x128xf32, #tpu.memory_space<vmem>>, vector<16xf32>,
      %get3A_213 = arith.index_cast %scan3A_6 : i32 to index
      %get3A_214 = arith.constant 112 : index
      %get3A_215 = tpu.vector_load %arg8[%get3A_213, %get3A_214] {strides = array<i32>} : memref<40x128xi32, #tpu.memory_space<vmem>>, vector<16xi32>,
      %get3A_216 = arith.index_cast %scan3A_6 : i32 to index
      %get3A_217 = arith.constant 112 : index
      %get3A_218 = tpu.vector_load %arg9[%get3A_216, %get3A_217] {strides = array<i32>} : memref<40x128xi32, #tpu.memory_space<vmem>>, vector<16xi32>,
      %gather3A_219 = tpu.vector_load_idx %arg7[%get3A_215] : memref<20000xf32, #tpu.memory_space<vmem>>[vector<16xi32>], vector<16xf32>,
      %gather3A_220 = tpu.vector_load_idx %arg7[%get3A_218] : memref<20000xf32, #tpu.memory_space<vmem>>[vector<16xi32>], vector<16xf32>,
      %max3A_221 = arith.maximumf %gather3A_219, %gather3A_220 : vector<16xf32>
      %add3A_222 = arith.constant 9.99999974E-5 : f32
      %add3A_223 = vector.broadcast %add3A_222 : f32 to vector<16xf32>
      %add3A_224 = arith.addf %max3A_221, %add3A_223 : vector<16xf32>
      %add3A_225 = arith.constant 1 : i32
      %add3A_226 = vector.broadcast %add3A_225 : i32 to vector<16xi32>
      %add3A_227 = arith.addi %get3A_215, %add3A_226 : vector<16xi32>
      %gather3A_228 = tpu.vector_load_idx %arg7[%add3A_227] : memref<20000xf32, #tpu.memory_space<vmem>>[vector<16xi32>], vector<16xf32>,
      %add3A_229 = arith.constant 1 : i32
      %add3A_230 = vector.broadcast %add3A_229 : i32 to vector<16xi32>
      %add3A_231 = arith.addi %get3A_218, %add3A_230 : vector<16xi32>
      %gather3A_232 = tpu.vector_load_idx %arg7[%add3A_231] : memref<20000xf32, #tpu.memory_space<vmem>>[vector<16xi32>], vector<16xf32>,
      %max3A_233 = arith.maximumf %gather3A_228, %gather3A_232 : vector<16xf32>
      %add3A_234 = arith.constant 9.99999974E-5 : f32
      %add3A_235 = vector.broadcast %add3A_234 : f32 to vector<16xf32>
      %add3A_236 = arith.addf %max3A_233, %add3A_235 : vector<16xf32>
      %swap3A_237 = arith.index_cast %scan3A_6 : i32 to index
      %swap3A_238 = arith.constant 112 : index
      %swap3A_239 = tpu.vector_load %arg10[%swap3A_237, %swap3A_238] {strides = array<i32>} : memref<40x128xf32, #tpu.memory_space<vmem>>, vector<16xf32>,
      tpu.vector_store %arg10[%swap3A_237, %swap3A_238], %add3A_224 {strides = array<i32>} : memref<40x128xf32, #tpu.memory_space<vmem>>, vector<16xf32>,
      %swap3A_240 = arith.index_cast %scan3A_6 : i32 to index
      %swap3A_241 = arith.constant 112 : index
      %swap3A_242 = tpu.vector_load %arg11[%swap3A_240, %swap3A_241] {strides = array<i32>} : memref<40x128xf32, #tpu.memory_space<vmem>>, vector<16xf32>,
      tpu.vector_store %arg11[%swap3A_240, %swap3A_241], %add3A_236 {strides = array<i32>} : memref<40x128xf32, #tpu.memory_space<vmem>>, vector<16xf32>,
    }
    %scan3A_5 = arith.constant 40 : i32
    "tpu.region"() ({
      %run_scoped3A = tpu.sem_alloc : memref<!tpu.dma_semaphore, #tpu.memory_space<semaphore_mem>>
      %dma_start3A = arith.constant 0 : i32
      %dma_start3A_6 = arith.constant 0 : i32
      %dma_start3A_7 = tpu.memref_slice %arg5[%add3A, %dma_start3A, %dma_start3A_6] : memref<32x40x128xf32, #tpu.memory_space<hbm>> -> memref<1x40x128xf32, #tpu.memory_space<hbm>>
      %dma_start3A_8 = tpu.memref_squeeze %dma_start3A_7 : memref<1x40x128xf32, #tpu.memory_space<hbm>> -> memref<40x128xf32, #tpu.memory_space<hbm>>
      %dma_start3A_9 = arith.constant 0 : i32
      %dma_start3A_10 = arith.constant 0 : i32
      %dma_start3A_11 = tpu.memref_slice %arg5[%add3A, %dma_start3A_9, %dma_start3A_10] : memref<32x40x128xf32, #tpu.memory_space<hbm>> -> memref<1x40x128xf32, #tpu.memory_space<hbm>>
      %dma_start3A_12 = tpu.memref_squeeze %dma_start3A_11 : memref<1x40x128xf32, #tpu.memory_space<hbm>> -> memref<40x128xf32, #tpu.memory_space<hbm>>
      tpu.enqueue_dma source(%arg10 : memref<40x128xf32, #tpu.memory_space<vmem>>) target(%dma_start3A_12 : memref<40x128xf32, #tpu.memory_space<hbm>>) target_semaphore(%run_scoped3A : memref<!tpu.dma_semaphore, #tpu.memory_space<semaphore_mem>>)
      %dma_wait3A = arith.constant 0 : i32
      %dma_wait3A_13 = arith.constant 0 : i32
      %dma_wait3A_14 = tpu.memref_slice %arg5[%add3A, %dma_wait3A, %dma_wait3A_13] : memref<32x40x128xf32, #tpu.memory_space<hbm>> -> memref<1x40x128xf32, #tpu.memory_space<hbm>>
      %dma_wait3A_15 = tpu.memref_squeeze %dma_wait3A_14 : memref<1x40x128xf32, #tpu.memory_space<hbm>> -> memref<40x128xf32, #tpu.memory_space<hbm>>
      %dma_wait3A_16 = arith.constant 0 : i32
      %dma_wait3A_17 = arith.constant 0 : i32
      %dma_wait3A_18 = tpu.memref_slice %arg5[%add3A, %dma_wait3A_16, %dma_wait3A_17] : memref<32x40x128xf32, #tpu.memory_space<hbm>> -> memref<1x40x128xf32, #tpu.memory_space<hbm>>
      %dma_wait3A_19 = tpu.memref_squeeze %dma_wait3A_18 : memref<1x40x128xf32, #tpu.memory_space<hbm>> -> memref<40x128xf32, #tpu.memory_space<hbm>>
      tpu.wait_dma2 semaphore(%run_scoped3A : memref<!tpu.dma_semaphore, #tpu.memory_space<semaphore_mem>>) src(%arg10 : memref<40x128xf32, #tpu.memory_space<vmem>>) dst(%dma_wait3A_19 : memref<40x128xf32, #tpu.memory_space<hbm>>)
      tpu.yield
    }) : () -> ()
    "tpu.region"() ({
      %run_scoped3A = tpu.sem_alloc : memref<!tpu.dma_semaphore, #tpu.memory_space<semaphore_mem>>
      %dma_start3A = arith.constant 0 : i32
      %dma_start3A_6 = arith.constant 0 : i32
      %dma_start3A_7 = tpu.memref_slice %arg6[%add3A, %dma_start3A, %dma_start3A_6] : memref<32x40x128xf32, #tpu.memory_space<hbm>> -> memref<1x40x128xf32, #tpu.memory_space<hbm>>
      %dma_start3A_8 = tpu.memref_squeeze %dma_start3A_7 : memref<1x40x128xf32, #tpu.memory_space<hbm>> -> memref<40x128xf32, #tpu.memory_space<hbm>>
      %dma_start3A_9 = arith.constant 0 : i32
      %dma_start3A_10 = arith.constant 0 : i32
      %dma_start3A_11 = tpu.memref_slice %arg6[%add3A, %dma_start3A_9, %dma_start3A_10] : memref<32x40x128xf32, #tpu.memory_space<hbm>> -> memref<1x40x128xf32, #tpu.memory_space<hbm>>
      %dma_start3A_12 = tpu.memref_squeeze %dma_start3A_11 : memref<1x40x128xf32, #tpu.memory_space<hbm>> -> memref<40x128xf32, #tpu.memory_space<hbm>>
      tpu.enqueue_dma source(%arg11 : memref<40x128xf32, #tpu.memory_space<vmem>>) target(%dma_start3A_12 : memref<40x128xf32, #tpu.memory_space<hbm>>) target_semaphore(%run_scoped3A : memref<!tpu.dma_semaphore, #tpu.memory_space<semaphore_mem>>)
      %dma_wait3A = arith.constant 0 : i32
      %dma_wait3A_13 = arith.constant 0 : i32
      %dma_wait3A_14 = tpu.memref_slice %arg6[%add3A, %dma_wait3A, %dma_wait3A_13] : memref<32x40x128xf32, #tpu.memory_space<hbm>> -> memref<1x40x128xf32, #tpu.memory_space<hbm>>
      %dma_wait3A_15 = tpu.memref_squeeze %dma_wait3A_14 : memref<1x40x128xf32, #tpu.memory_space<hbm>> -> memref<40x128xf32, #tpu.memory_space<hbm>>
      %dma_wait3A_16 = arith.constant 0 : i32
      %dma_wait3A_17 = arith.constant 0 : i32
      %dma_wait3A_18 = tpu.memref_slice %arg6[%add3A, %dma_wait3A_16, %dma_wait3A_17] : memref<32x40x128xf32, #tpu.memory_space<hbm>> -> memref<1x40x128xf32, #tpu.memory_space<hbm>>
      %dma_wait3A_19 = tpu.memref_squeeze %dma_wait3A_18 : memref<1x40x128xf32, #tpu.memory_space<hbm>> -> memref<40x128xf32, #tpu.memory_space<hbm>>
      tpu.wait_dma2 semaphore(%run_scoped3A : memref<!tpu.dma_semaphore, #tpu.memory_space<semaphore_mem>>) src(%arg11 : memref<40x128xf32, #tpu.memory_space<vmem>>) dst(%dma_wait3A_19 : memref<40x128xf32, #tpu.memory_space<hbm>>)
      tpu.yield
    }) : () -> ()
    return
  }
}

#map = affine_map<(d0, d1) -> (0, 0)>
#map1 = affine_map<(d0, d1) -> (0, 0, 0, 0)>
#map2 = affine_map<(d0, d1) -> (0, 0, 0)>
module attributes {stable_mosaic.version = 14 : i64} {
  func.func @_segsum(%arg0: i32, %arg1: i32, %arg2: memref<20000x128xf32, #tpu.memory_space<hbm>>, %arg3: memref<2x16x80x128xi32, #tpu.memory_space<hbm>>, %arg4: memref<16x80x128xi32, #tpu.memory_space<hbm>>, %arg5: memref<656x128xf32, #tpu.memory_space<hbm>>, %arg6: memref<2x10496x128xf32, #tpu.memory_space<hbm>>, %arg7: memref<10496x128xf32, #tpu.memory_space<vmem_shared>>, %arg8: memref<80x128xi32, #tpu.memory_space<vmem>>, %arg9: memref<80x128xi32, #tpu.memory_space<vmem>>, %arg10: memref<128x128xf32, #tpu.memory_space<vmem>>, %arg11: memref<!tpu.dma_semaphore, #tpu.memory_space<semaphore_mem>>) attributes {dimension_semantics = [#tpu.dimension_semantics<core_parallel>, #tpu.dimension_semantics<subcore_parallel>], iteration_bounds = array<i64: 2, 16>, scalar_prefetch = 0 : i64, scratch_operands = 5 : i64, tpu.core_type = #tpu.core_type<sc_vector_subcore>, window_params = [{transform_indices = #map}, {transform_indices = #map1}, {transform_indices = #map2}, {transform_indices = #map}, {transform_indices = #map2}]} {
    %mul3A = arith.constant 656 : i32
    %mul3A_0 = arith.muli %arg1, %mul3A : i32
    "tpu.region"() ({
      %run_scoped3A = tpu.sem_alloc : memref<!tpu.dma_semaphore, #tpu.memory_space<semaphore_mem>>
      %dma_start3A = arith.constant 0 : i32
      %dma_start3A_7 = tpu.memref_slice %arg7[%mul3A_0, %dma_start3A] : memref<10496x128xf32, #tpu.memory_space<vmem_shared>> -> memref<656x128xf32, #tpu.memory_space<vmem_shared>>
      tpu.enqueue_dma source(%arg5 : memref<656x128xf32, #tpu.memory_space<hbm>>) target(%dma_start3A_7 : memref<656x128xf32, #tpu.memory_space<vmem_shared>>) target_semaphore(%run_scoped3A : memref<!tpu.dma_semaphore, #tpu.memory_space<semaphore_mem>>)
      %dma_wait3A = arith.constant 0 : i32
      %dma_wait3A_8 = tpu.memref_slice %arg7[%mul3A_0, %dma_wait3A] : memref<10496x128xf32, #tpu.memory_space<vmem_shared>> -> memref<656x128xf32, #tpu.memory_space<vmem_shared>>
      tpu.wait_dma2 semaphore(%run_scoped3A : memref<!tpu.dma_semaphore, #tpu.memory_space<semaphore_mem>>) src(%arg5 : memref<656x128xf32, #tpu.memory_space<hbm>>) dst(%dma_wait3A_8 : memref<656x128xf32, #tpu.memory_space<vmem_shared>>)
      tpu.yield
    }) : () -> ()
    "tpu.region"() ({
      %run_scoped3A = tpu.sem_alloc : memref<!tpu.dma_semaphore, #tpu.memory_space<semaphore_mem>>
      %dma_start3A = arith.constant 0 : i32
      %dma_start3A_7 = arith.constant 0 : i32
      %dma_start3A_8 = tpu.memref_slice %arg3[%arg0, %arg1, %dma_start3A, %dma_start3A_7] : memref<2x16x80x128xi32, #tpu.memory_space<hbm>> -> memref<1x1x80x128xi32, #tpu.memory_space<hbm>>
      %dma_start3A_9 = tpu.memref_squeeze %dma_start3A_8 : memref<1x1x80x128xi32, #tpu.memory_space<hbm>> -> memref<80x128xi32, #tpu.memory_space<hbm>>
      %dma_start3A_10 = arith.constant 0 : i32
      %dma_start3A_11 = arith.constant 0 : i32
      %dma_start3A_12 = tpu.memref_slice %arg3[%arg0, %arg1, %dma_start3A_10, %dma_start3A_11] : memref<2x16x80x128xi32, #tpu.memory_space<hbm>> -> memref<1x1x80x128xi32, #tpu.memory_space<hbm>>
      %dma_start3A_13 = tpu.memref_squeeze %dma_start3A_12 : memref<1x1x80x128xi32, #tpu.memory_space<hbm>> -> memref<80x128xi32, #tpu.memory_space<hbm>>
      tpu.enqueue_dma source(%dma_start3A_13 : memref<80x128xi32, #tpu.memory_space<hbm>>) target(%arg8 : memref<80x128xi32, #tpu.memory_space<vmem>>) target_semaphore(%run_scoped3A : memref<!tpu.dma_semaphore, #tpu.memory_space<semaphore_mem>>)
      %dma_wait3A = arith.constant 0 : i32
      %dma_wait3A_14 = arith.constant 0 : i32
      %dma_wait3A_15 = tpu.memref_slice %arg3[%arg0, %arg1, %dma_wait3A, %dma_wait3A_14] : memref<2x16x80x128xi32, #tpu.memory_space<hbm>> -> memref<1x1x80x128xi32, #tpu.memory_space<hbm>>
      %dma_wait3A_16 = tpu.memref_squeeze %dma_wait3A_15 : memref<1x1x80x128xi32, #tpu.memory_space<hbm>> -> memref<80x128xi32, #tpu.memory_space<hbm>>
      %dma_wait3A_17 = arith.constant 0 : i32
      %dma_wait3A_18 = arith.constant 0 : i32
      %dma_wait3A_19 = tpu.memref_slice %arg3[%arg0, %arg1, %dma_wait3A_17, %dma_wait3A_18] : memref<2x16x80x128xi32, #tpu.memory_space<hbm>> -> memref<1x1x80x128xi32, #tpu.memory_space<hbm>>
      %dma_wait3A_20 = tpu.memref_squeeze %dma_wait3A_19 : memref<1x1x80x128xi32, #tpu.memory_space<hbm>> -> memref<80x128xi32, #tpu.memory_space<hbm>>
      tpu.wait_dma2 semaphore(%run_scoped3A : memref<!tpu.dma_semaphore, #tpu.memory_space<semaphore_mem>>) src(%dma_wait3A_20 : memref<80x128xi32, #tpu.memory_space<hbm>>) dst(%arg8 : memref<80x128xi32, #tpu.memory_space<vmem>>)
      tpu.yield
    }) : () -> ()
    "tpu.region"() ({
      %run_scoped3A = tpu.sem_alloc : memref<!tpu.dma_semaphore, #tpu.memory_space<semaphore_mem>>
      %dma_start3A = arith.constant 0 : i32
      %dma_start3A_7 = arith.constant 0 : i32
      %dma_start3A_8 = tpu.memref_slice %arg4[%arg1, %dma_start3A, %dma_start3A_7] : memref<16x80x128xi32, #tpu.memory_space<hbm>> -> memref<1x80x128xi32, #tpu.memory_space<hbm>>
      %dma_start3A_9 = tpu.memref_squeeze %dma_start3A_8 : memref<1x80x128xi32, #tpu.memory_space<hbm>> -> memref<80x128xi32, #tpu.memory_space<hbm>>
      %dma_start3A_10 = arith.constant 0 : i32
      %dma_start3A_11 = arith.constant 0 : i32
      %dma_start3A_12 = tpu.memref_slice %arg4[%arg1, %dma_start3A_10, %dma_start3A_11] : memref<16x80x128xi32, #tpu.memory_space<hbm>> -> memref<1x80x128xi32, #tpu.memory_space<hbm>>
      %dma_start3A_13 = tpu.memref_squeeze %dma_start3A_12 : memref<1x80x128xi32, #tpu.memory_space<hbm>> -> memref<80x128xi32, #tpu.memory_space<hbm>>
      tpu.enqueue_dma source(%dma_start3A_13 : memref<80x128xi32, #tpu.memory_space<hbm>>) target(%arg9 : memref<80x128xi32, #tpu.memory_space<vmem>>) target_semaphore(%run_scoped3A : memref<!tpu.dma_semaphore, #tpu.memory_space<semaphore_mem>>)
      %dma_wait3A = arith.constant 0 : i32
      %dma_wait3A_14 = arith.constant 0 : i32
      %dma_wait3A_15 = tpu.memref_slice %arg4[%arg1, %dma_wait3A, %dma_wait3A_14] : memref<16x80x128xi32, #tpu.memory_space<hbm>> -> memref<1x80x128xi32, #tpu.memory_space<hbm>>
      %dma_wait3A_16 = tpu.memref_squeeze %dma_wait3A_15 : memref<1x80x128xi32, #tpu.memory_space<hbm>> -> memref<80x128xi32, #tpu.memory_space<hbm>>
      %dma_wait3A_17 = arith.constant 0 : i32
      %dma_wait3A_18 = arith.constant 0 : i32
      %dma_wait3A_19 = tpu.memref_slice %arg4[%arg1, %dma_wait3A_17, %dma_wait3A_18] : memref<16x80x128xi32, #tpu.memory_space<hbm>> -> memref<1x80x128xi32, #tpu.memory_space<hbm>>
      %dma_wait3A_20 = tpu.memref_squeeze %dma_wait3A_19 : memref<1x80x128xi32, #tpu.memory_space<hbm>> -> memref<80x128xi32, #tpu.memory_space<hbm>>
      tpu.wait_dma2 semaphore(%run_scoped3A : memref<!tpu.dma_semaphore, #tpu.memory_space<semaphore_mem>>) src(%dma_wait3A_20 : memref<80x128xi32, #tpu.memory_space<hbm>>) dst(%arg9 : memref<80x128xi32, #tpu.memory_space<vmem>>)
      tpu.yield
    }) : () -> ()
    %barrier3A = arith.constant 0 : index
    tpu.barrier barrier_id(%barrier3A)
    %scan3A = arith.constant 0 : i32
    %scan3A_1 = arith.constant 0 : i32
    %scan3A_2 = arith.constant 80 : i32
    %scan3A_3 = arith.addi %scan3A_1, %scan3A_2 : i32
    %scan3A_4 = arith.constant 1 : i32
    scf.for %scan3A_7 = %scan3A_1 to %scan3A_3 step %scan3A_4  : i32 {
      %dma_start3A = arith.constant 0 : i32
      %dma_start3A_8 = tpu.memref_slice %arg8[%scan3A_7, %dma_start3A] : memref<80x128xi32, #tpu.memory_space<vmem>> -> memref<1x128xi32, #tpu.memory_space<vmem>>
      %dma_start3A_9 = tpu.memref_squeeze %dma_start3A_8 : memref<1x128xi32, #tpu.memory_space<vmem>> -> memref<128xi32, #tpu.memory_space<vmem>>
      %dma_start3A_10 = arith.constant 0 : i32
      %dma_start3A_11 = arith.constant 0 : i32
      %dma_start3A_12 = tpu.memref_slice %arg2[%dma_start3A_10, %dma_start3A_11] : memref<20000x128xf32, #tpu.memory_space<hbm>> -> memref<20000x128xf32, #tpu.memory_space<hbm>>
      tpu.enqueue_indirect_dma source(%dma_start3A_12 : memref<20000x128xf32, #tpu.memory_space<hbm>>) target(%arg10 : memref<128x128xf32, #tpu.memory_space<vmem>>) offsets(%dma_start3A_9 : memref<128xi32, #tpu.memory_space<vmem>>) semaphore(%arg11 : memref<!tpu.dma_semaphore, #tpu.memory_space<semaphore_mem>>)
      %dma_wait3A = arith.constant 0 : i32
      %dma_wait3A_13 = tpu.memref_slice %arg8[%scan3A_7, %dma_wait3A] : memref<80x128xi32, #tpu.memory_space<vmem>> -> memref<1x128xi32, #tpu.memory_space<vmem>>
      %dma_wait3A_14 = tpu.memref_squeeze %dma_wait3A_13 : memref<1x128xi32, #tpu.memory_space<vmem>> -> memref<128xi32, #tpu.memory_space<vmem>>
      %dma_wait3A_15 = arith.constant 0 : i32
      %dma_wait3A_16 = arith.constant 0 : i32
      %dma_wait3A_17 = tpu.memref_slice %arg2[%dma_wait3A_15, %dma_wait3A_16] : memref<20000x128xf32, #tpu.memory_space<hbm>> -> memref<20000x128xf32, #tpu.memory_space<hbm>>
      tpu.wait_indirect_dma semaphore(%arg11 : memref<!tpu.dma_semaphore, #tpu.memory_space<semaphore_mem>>) src(%dma_wait3A_17 : memref<20000x128xf32, #tpu.memory_space<hbm>>) dst(%arg10 : memref<128x128xf32, #tpu.memory_space<vmem>>)
      "tpu.region"() ({
        %run_scoped3A = tpu.sem_alloc : memref<!tpu.dma_semaphore, #tpu.memory_space<semaphore_mem>>
        %dma_start3A_18 = arith.constant 0 : i32
        %dma_start3A_19 = tpu.memref_slice %arg9[%scan3A_7, %dma_start3A_18] : memref<80x128xi32, #tpu.memory_space<vmem>> -> memref<1x128xi32, #tpu.memory_space<vmem>>
        %dma_start3A_20 = tpu.memref_squeeze %dma_start3A_19 : memref<1x128xi32, #tpu.memory_space<vmem>> -> memref<128xi32, #tpu.memory_space<vmem>>
        %dma_start3A_21 = arith.constant 0 : i32
        %dma_start3A_22 = arith.constant 0 : i32
        %dma_start3A_23 = tpu.memref_slice %arg7[%dma_start3A_21, %dma_start3A_22] : memref<10496x128xf32, #tpu.memory_space<vmem_shared>> -> memref<10496x128xf32, #tpu.memory_space<vmem_shared>>
        tpu.enqueue_indirect_dma source(%arg10 : memref<128x128xf32, #tpu.memory_space<vmem>>) target(%dma_start3A_23 : memref<10496x128xf32, #tpu.memory_space<vmem_shared>>) offsets(%dma_start3A_20 : memref<128xi32, #tpu.memory_space<vmem>>) semaphore(%run_scoped3A : memref<!tpu.dma_semaphore, #tpu.memory_space<semaphore_mem>>) {add = true}
        %dma_wait3A_24 = arith.constant 0 : i32
        %dma_wait3A_25 = tpu.memref_slice %arg9[%scan3A_7, %dma_wait3A_24] : memref<80x128xi32, #tpu.memory_space<vmem>> -> memref<1x128xi32, #tpu.memory_space<vmem>>
        %dma_wait3A_26 = tpu.memref_squeeze %dma_wait3A_25 : memref<1x128xi32, #tpu.memory_space<vmem>> -> memref<128xi32, #tpu.memory_space<vmem>>
        %dma_wait3A_27 = arith.constant 0 : i32
        %dma_wait3A_28 = arith.constant 0 : i32
        %dma_wait3A_29 = tpu.memref_slice %arg7[%dma_wait3A_27, %dma_wait3A_28] : memref<10496x128xf32, #tpu.memory_space<vmem_shared>> -> memref<10496x128xf32, #tpu.memory_space<vmem_shared>>
        tpu.wait_indirect_dma semaphore(%run_scoped3A : memref<!tpu.dma_semaphore, #tpu.memory_space<semaphore_mem>>) src(%arg10 : memref<128x128xf32, #tpu.memory_space<vmem>>) dst(%dma_wait3A_29 : memref<10496x128xf32, #tpu.memory_space<vmem_shared>>)
        tpu.yield
      }) : () -> ()
    }
    %scan3A_5 = arith.constant 80 : i32
    %barrier3A_6 = arith.constant 0 : index
    tpu.barrier barrier_id(%barrier3A_6)
    "tpu.region"() ({
      %run_scoped3A = tpu.sem_alloc : memref<!tpu.dma_semaphore, #tpu.memory_space<semaphore_mem>>
      %dma_start3A = arith.constant 0 : i32
      %dma_start3A_7 = tpu.memref_slice %arg6[%arg0, %mul3A_0, %dma_start3A] : memref<2x10496x128xf32, #tpu.memory_space<hbm>> -> memref<1x656x128xf32, #tpu.memory_space<hbm>>
      %dma_start3A_8 = tpu.memref_squeeze %dma_start3A_7 : memref<1x656x128xf32, #tpu.memory_space<hbm>> -> memref<656x128xf32, #tpu.memory_space<hbm>>
      %dma_start3A_9 = arith.constant 0 : i32
      %dma_start3A_10 = tpu.memref_slice %arg7[%mul3A_0, %dma_start3A_9] : memref<10496x128xf32, #tpu.memory_space<vmem_shared>> -> memref<656x128xf32, #tpu.memory_space<vmem_shared>>
      tpu.enqueue_dma source(%dma_start3A_10 : memref<656x128xf32, #tpu.memory_space<vmem_shared>>) target(%dma_start3A_8 : memref<656x128xf32, #tpu.memory_space<hbm>>) target_semaphore(%run_scoped3A : memref<!tpu.dma_semaphore, #tpu.memory_space<semaphore_mem>>)
      %dma_wait3A = arith.constant 0 : i32
      %dma_wait3A_11 = tpu.memref_slice %arg6[%arg0, %mul3A_0, %dma_wait3A] : memref<2x10496x128xf32, #tpu.memory_space<hbm>> -> memref<1x656x128xf32, #tpu.memory_space<hbm>>
      %dma_wait3A_12 = tpu.memref_squeeze %dma_wait3A_11 : memref<1x656x128xf32, #tpu.memory_space<hbm>> -> memref<656x128xf32, #tpu.memory_space<hbm>>
      %dma_wait3A_13 = arith.constant 0 : i32
      %dma_wait3A_14 = tpu.memref_slice %arg7[%mul3A_0, %dma_wait3A_13] : memref<10496x128xf32, #tpu.memory_space<vmem_shared>> -> memref<656x128xf32, #tpu.memory_space<vmem_shared>>
      tpu.wait_dma2 semaphore(%run_scoped3A : memref<!tpu.dma_semaphore, #tpu.memory_space<semaphore_mem>>) src(%dma_wait3A_14 : memref<656x128xf32, #tpu.memory_space<vmem_shared>>) dst(%dma_wait3A_12 : memref<656x128xf32, #tpu.memory_space<hbm>>)
      tpu.yield
    }) : () -> ()
    return
  }
}

module attributes {stable_mosaic.version = 14 : i64} {
  func.func @_mlp_body(%arg0: i32, %arg1: memref<1x1xf32, #tpu.memory_space<vmem>>, %arg2: memref<400x256xf32, #tpu.memory_space<vmem>>, %arg3: memref<2x400x128xf32, #tpu.memory_space<vmem>>, %arg4: memref<256x256xf32, #tpu.memory_space<vmem>>, %arg5: memref<1x256xf32, #tpu.memory_space<vmem>>, %arg6: memref<256x256xf32, #tpu.memory_space<vmem>>, %arg7: memref<1x256xf32, #tpu.memory_space<vmem>>, %arg8: memref<400x256xf32, #tpu.memory_space<vmem>>) attributes {dimension_semantics = [#tpu.dimension_semantics<arbitrary>], iteration_bounds = array<i64: 25>, scalar_prefetch = 0 : i64, scratch_operands = 0 : i64, tpu.core_type = #tpu.core_type<tc>, window_params = [{pipeline_mode = #tpu.pipeline_mode<synchronous>, transform_indices = @transform_0, window_bounds = array<i64: 1, 1>}, {transform_indices = @transform_1, window_bounds = array<i64: 400, 256>}, {transform_indices = @transform_2, window_bounds = array<i64: 2, 400, 128>}, {pipeline_mode = #tpu.pipeline_mode<synchronous>, transform_indices = @transform_3, window_bounds = array<i64: 256, 256>}, {pipeline_mode = #tpu.pipeline_mode<synchronous>, transform_indices = @transform_4, window_bounds = array<i64: 1, 256>}, {pipeline_mode = #tpu.pipeline_mode<synchronous>, transform_indices = @transform_5, window_bounds = array<i64: 256, 256>}, {pipeline_mode = #tpu.pipeline_mode<synchronous>, transform_indices = @transform_6, window_bounds = array<i64: 1, 256>}, {transform_indices = @transform_7, window_bounds = array<i64: 400, 256>}]} {
    %get3A = arith.constant 0 : index
    %get3A_0 = arith.constant 0 : index
    %get3A_1 = vector.load %arg2[%get3A, %get3A_0] : memref<400x256xf32, #tpu.memory_space<vmem>>, vector<400x256xf32>
    %get3A_2 = arith.constant 0 : index
    %get3A_3 = arith.constant 0 : index
    %get3A_4 = vector.load %arg1[%get3A_2, %get3A_3] : memref<1x1xf32, #tpu.memory_space<vmem>>, vector<1x1xf32>
    %get3A_5 = vector.extract %get3A_4[0, 0] : f32 from vector<1x1xf32>
    %mul3A = vector.broadcast %get3A_5 : f32 to vector<400x256xf32>
    %mul3A_6 = arith.mulf %get3A_1, %mul3A : vector<400x256xf32>
    %get3A_7 = arith.constant 0 : index
    %get3A_8 = arith.constant 0 : index
    %get3A_9 = arith.constant 0 : index
    %get3A_10 = vector.load %arg3[%get3A_7, %get3A_8, %get3A_9] : memref<2x400x128xf32, #tpu.memory_space<vmem>>, vector<1x400x128xf32>
    %get3A_11 = vector.shape_cast %get3A_10 : vector<1x400x128xf32> to vector<400x128xf32>
    %get3A_12 = arith.constant 1 : index
    %get3A_13 = arith.constant 0 : index
    %get3A_14 = arith.constant 0 : index
    %get3A_15 = vector.load %arg3[%get3A_12, %get3A_13, %get3A_14] : memref<2x400x128xf32, #tpu.memory_space<vmem>>, vector<1x400x128xf32>
    %get3A_16 = vector.shape_cast %get3A_15 : vector<1x400x128xf32> to vector<400x128xf32>
    %concatenate3A = tpu.concatenate %get3A_11, %get3A_16 in 1 : vector<400x128xf32>, vector<400x128xf32> -> vector<400x256xf32>
    %add3A = arith.addf %mul3A_6, %concatenate3A : vector<400x256xf32>
    %get3A_17 = arith.constant 0 : index
    %get3A_18 = arith.constant 0 : index
    %get3A_19 = vector.load %arg4[%get3A_17, %get3A_18] : memref<256x256xf32, #tpu.memory_space<vmem>>, vector<256x256xf32>
    %dot_general3A = arith.constant dense<0.000000e+00> : vector<400x256xf32>
    %dot_general3A_20 = tpu.matmul %add3A, %get3A_19, %dot_general3A {dimension_numbers = #tpu.dot_dimension_numbers<[1], [0], [0], [1], [0, 0, 1, 1], [], []>, transpose_lhs_hint = false} : vector<400x256xf32>, vector<256x256xf32>, vector<400x256xf32> -> vector<400x256xf32>
    %get3A_21 = arith.constant 0 : index
    %get3A_22 = arith.constant 0 : index
    %get3A_23 = vector.load %arg5[%get3A_21, %get3A_22] : memref<1x256xf32, #tpu.memory_space<vmem>>, vector<1x256xf32>
    %add3A_24 = vector.broadcast %get3A_23 : vector<1x256xf32> to vector<400x256xf32>
    %add3A_25 = arith.addf %dot_general3A_20, %add3A_24 : vector<400x256xf32>
    %ge3A = arith.constant 0.000000e+00 : f32
    %ge3A_26 = vector.broadcast %ge3A : f32 to vector<400x256xf32>
    %ge3A_27 = arith.cmpf oge, %add3A_25, %ge3A_26 : vector<400x256xf32>
    %mul3A_28 = arith.constant 0.00999999977 : f32
    %mul3A_29 = vector.broadcast %mul3A_28 : f32 to vector<400x256xf32>
    %mul3A_30 = arith.mulf %mul3A_29, %add3A_25 : vector<400x256xf32>
    %select_n3A = arith.select %ge3A_27, %add3A_25, %mul3A_30 : vector<400x256xi1>, vector<400x256xf32>
    %get3A_31 = arith.constant 0 : index
    %get3A_32 = arith.constant 0 : index
    %get3A_33 = vector.load %arg6[%get3A_31, %get3A_32] : memref<256x256xf32, #tpu.memory_space<vmem>>, vector<256x256xf32>
    %dot_general3A_34 = arith.constant dense<0.000000e+00> : vector<400x256xf32>
    %dot_general3A_35 = tpu.matmul %select_n3A, %get3A_33, %dot_general3A_34 {dimension_numbers = #tpu.dot_dimension_numbers<[1], [0], [0], [1], [0, 0, 1, 1], [], []>, transpose_lhs_hint = false} : vector<400x256xf32>, vector<256x256xf32>, vector<400x256xf32> -> vector<400x256xf32>
    %get3A_36 = arith.constant 0 : index
    %get3A_37 = arith.constant 0 : index
    %get3A_38 = vector.load %arg7[%get3A_36, %get3A_37] : memref<1x256xf32, #tpu.memory_space<vmem>>, vector<1x256xf32>
    %add3A_39 = vector.broadcast %get3A_38 : vector<1x256xf32> to vector<400x256xf32>
    %add3A_40 = arith.addf %dot_general3A_35, %add3A_39 : vector<400x256xf32>
    %ge3A_41 = arith.constant 0.000000e+00 : f32
    %ge3A_42 = vector.broadcast %ge3A_41 : f32 to vector<400x256xf32>
    %ge3A_43 = arith.cmpf oge, %add3A_40, %ge3A_42 : vector<400x256xf32>
    %mul3A_44 = arith.constant 0.00999999977 : f32
    %mul3A_45 = vector.broadcast %mul3A_44 : f32 to vector<400x256xf32>
    %mul3A_46 = arith.mulf %mul3A_45, %add3A_40 : vector<400x256xf32>
    %select_n3A_47 = arith.select %ge3A_43, %add3A_40, %mul3A_46 : vector<400x256xi1>, vector<400x256xf32>
    %swap3A = arith.constant 0 : index
    %swap3A_48 = arith.constant 0 : index
    %swap3A_49 = vector.load %arg8[%swap3A, %swap3A_48] : memref<400x256xf32, #tpu.memory_space<vmem>>, vector<400x256xf32>
    tpu.vector_store %arg8[%swap3A, %swap3A_48], %select_n3A_47 {strides = array<i32>} : memref<400x256xf32, #tpu.memory_space<vmem>>, vector<400x256xf32>,
    return
  }
  func.func @transform_0(%arg0: i32) -> (i32, i32) {
    %c0_i32 = arith.constant 0 : i32
    %c0_i32_0 = arith.constant 0 : i32
    %c0_i32_1 = arith.constant 0 : i32
    return %c0_i32, %c0_i32_0 : i32, i32
  }
  func.func @transform_1(%arg0: i32) -> (i32, i32) {
    %c0_i32 = arith.constant 0 : i32
    %c0_i32_0 = arith.constant 0 : i32
    return %arg0, %c0_i32 : i32, i32
  }
  func.func @transform_2(%arg0: i32) -> (i32, i32, i32) {
    %c0_i32 = arith.constant 0 : i32
    %c0_i32_0 = arith.constant 0 : i32
    %c0_i32_1 = arith.constant 0 : i32
    return %c0_i32, %arg0, %c0_i32_0 : i32, i32, i32
  }
  func.func @transform_3(%arg0: i32) -> (i32, i32) {
    %c0_i32 = arith.constant 0 : i32
    %c0_i32_0 = arith.constant 0 : i32
    %c0_i32_1 = arith.constant 0 : i32
    return %c0_i32, %c0_i32_0 : i32, i32
  }
  func.func @transform_4(%arg0: i32) -> (i32, i32) {
    %c0_i32 = arith.constant 0 : i32
    %c0_i32_0 = arith.constant 0 : i32
    %c0_i32_1 = arith.constant 0 : i32
    return %c0_i32, %c0_i32_0 : i32, i32
  }
  func.func @transform_5(%arg0: i32) -> (i32, i32) {
    %c0_i32 = arith.constant 0 : i32
    %c0_i32_0 = arith.constant 0 : i32
    %c0_i32_1 = arith.constant 0 : i32
    return %c0_i32, %c0_i32_0 : i32, i32
  }
  func.func @transform_6(%arg0: i32) -> (i32, i32) {
    %c0_i32 = arith.constant 0 : i32
    %c0_i32_0 = arith.constant 0 : i32
    %c0_i32_1 = arith.constant 0 : i32
    return %c0_i32, %c0_i32_0 : i32, i32
  }
  func.func @transform_7(%arg0: i32) -> (i32, i32) {
    %c0_i32 = arith.constant 0 : i32
    %c0_i32_0 = arith.constant 0 : i32
    return %arg0, %c0_i32 : i32, i32
  }
}

module attributes {stable_mosaic.version = 14 : i64} {
  func.func @_head_body(%arg0: i32, %arg1: memref<1x1xf32, #tpu.memory_space<vmem>>, %arg2: memref<400x256xf32, #tpu.memory_space<vmem>>, %arg3: memref<2x400x128xf32, #tpu.memory_space<vmem>>, %arg4: memref<256x256xf32, #tpu.memory_space<vmem>>, %arg5: memref<1x256xf32, #tpu.memory_space<vmem>>, %arg6: memref<256x256xf32, #tpu.memory_space<vmem>>, %arg7: memref<1x256xf32, #tpu.memory_space<vmem>>, %arg8: memref<256x2xf32, #tpu.memory_space<vmem>>, %arg9: memref<1x2xf32, #tpu.memory_space<vmem>>, %arg10: memref<400x2xf32, #tpu.memory_space<vmem>>) attributes {dimension_semantics = [#tpu.dimension_semantics<arbitrary>], iteration_bounds = array<i64: 25>, scalar_prefetch = 0 : i64, scratch_operands = 0 : i64, tpu.core_type = #tpu.core_type<tc>, window_params = [{pipeline_mode = #tpu.pipeline_mode<synchronous>, transform_indices = @transform_0, window_bounds = array<i64: 1, 1>}, {transform_indices = @transform_1, window_bounds = array<i64: 400, 256>}, {transform_indices = @transform_2, window_bounds = array<i64: 2, 400, 128>}, {pipeline_mode = #tpu.pipeline_mode<synchronous>, transform_indices = @transform_3, window_bounds = array<i64: 256, 256>}, {pipeline_mode = #tpu.pipeline_mode<synchronous>, transform_indices = @transform_4, window_bounds = array<i64: 1, 256>}, {pipeline_mode = #tpu.pipeline_mode<synchronous>, transform_indices = @transform_5, window_bounds = array<i64: 256, 256>}, {pipeline_mode = #tpu.pipeline_mode<synchronous>, transform_indices = @transform_6, window_bounds = array<i64: 1, 256>}, {pipeline_mode = #tpu.pipeline_mode<synchronous>, transform_indices = @transform_7, window_bounds = array<i64: 256, 2>}, {pipeline_mode = #tpu.pipeline_mode<synchronous>, transform_indices = @transform_8, window_bounds = array<i64: 1, 2>}, {transform_indices = @transform_9, window_bounds = array<i64: 400, 2>}]} {
    %get3A = arith.constant 0 : index
    %get3A_0 = arith.constant 0 : index
    %get3A_1 = vector.load %arg2[%get3A, %get3A_0] : memref<400x256xf32, #tpu.memory_space<vmem>>, vector<400x256xf32>
    %get3A_2 = arith.constant 0 : index
    %get3A_3 = arith.constant 0 : index
    %get3A_4 = vector.load %arg1[%get3A_2, %get3A_3] : memref<1x1xf32, #tpu.memory_space<vmem>>, vector<1x1xf32>
    %get3A_5 = vector.extract %get3A_4[0, 0] : f32 from vector<1x1xf32>
    %mul3A = vector.broadcast %get3A_5 : f32 to vector<400x256xf32>
    %mul3A_6 = arith.mulf %get3A_1, %mul3A : vector<400x256xf32>
    %get3A_7 = arith.constant 0 : index
    %get3A_8 = arith.constant 0 : index
    %get3A_9 = arith.constant 0 : index
    %get3A_10 = vector.load %arg3[%get3A_7, %get3A_8, %get3A_9] : memref<2x400x128xf32, #tpu.memory_space<vmem>>, vector<1x400x128xf32>
    %get3A_11 = vector.shape_cast %get3A_10 : vector<1x400x128xf32> to vector<400x128xf32>
    %get3A_12 = arith.constant 1 : index
    %get3A_13 = arith.constant 0 : index
    %get3A_14 = arith.constant 0 : index
    %get3A_15 = vector.load %arg3[%get3A_12, %get3A_13, %get3A_14] : memref<2x400x128xf32, #tpu.memory_space<vmem>>, vector<1x400x128xf32>
    %get3A_16 = vector.shape_cast %get3A_15 : vector<1x400x128xf32> to vector<400x128xf32>
    %concatenate3A = tpu.concatenate %get3A_11, %get3A_16 in 1 : vector<400x128xf32>, vector<400x128xf32> -> vector<400x256xf32>
    %add3A = arith.addf %mul3A_6, %concatenate3A : vector<400x256xf32>
    %get3A_17 = arith.constant 0 : index
    %get3A_18 = arith.constant 0 : index
    %get3A_19 = vector.load %arg4[%get3A_17, %get3A_18] : memref<256x256xf32, #tpu.memory_space<vmem>>, vector<256x256xf32>
    %dot_general3A = arith.constant dense<0.000000e+00> : vector<400x256xf32>
    %dot_general3A_20 = tpu.matmul %add3A, %get3A_19, %dot_general3A {dimension_numbers = #tpu.dot_dimension_numbers<[1], [0], [0], [1], [0, 0, 1, 1], [], []>, transpose_lhs_hint = false} : vector<400x256xf32>, vector<256x256xf32>, vector<400x256xf32> -> vector<400x256xf32>
    %get3A_21 = arith.constant 0 : index
    %get3A_22 = arith.constant 0 : index
    %get3A_23 = vector.load %arg5[%get3A_21, %get3A_22] : memref<1x256xf32, #tpu.memory_space<vmem>>, vector<1x256xf32>
    %add3A_24 = vector.broadcast %get3A_23 : vector<1x256xf32> to vector<400x256xf32>
    %add3A_25 = arith.addf %dot_general3A_20, %add3A_24 : vector<400x256xf32>
    %ge3A = arith.constant 0.000000e+00 : f32
    %ge3A_26 = vector.broadcast %ge3A : f32 to vector<400x256xf32>
    %ge3A_27 = arith.cmpf oge, %add3A_25, %ge3A_26 : vector<400x256xf32>
    %mul3A_28 = arith.constant 0.00999999977 : f32
    %mul3A_29 = vector.broadcast %mul3A_28 : f32 to vector<400x256xf32>
    %mul3A_30 = arith.mulf %mul3A_29, %add3A_25 : vector<400x256xf32>
    %select_n3A = arith.select %ge3A_27, %add3A_25, %mul3A_30 : vector<400x256xi1>, vector<400x256xf32>
    %get3A_31 = arith.constant 0 : index
    %get3A_32 = arith.constant 0 : index
    %get3A_33 = vector.load %arg6[%get3A_31, %get3A_32] : memref<256x256xf32, #tpu.memory_space<vmem>>, vector<256x256xf32>
    %dot_general3A_34 = arith.constant dense<0.000000e+00> : vector<400x256xf32>
    %dot_general3A_35 = tpu.matmul %select_n3A, %get3A_33, %dot_general3A_34 {dimension_numbers = #tpu.dot_dimension_numbers<[1], [0], [0], [1], [0, 0, 1, 1], [], []>, transpose_lhs_hint = false} : vector<400x256xf32>, vector<256x256xf32>, vector<400x256xf32> -> vector<400x256xf32>
    %get3A_36 = arith.constant 0 : index
    %get3A_37 = arith.constant 0 : index
    %get3A_38 = vector.load %arg7[%get3A_36, %get3A_37] : memref<1x256xf32, #tpu.memory_space<vmem>>, vector<1x256xf32>
    %add3A_39 = vector.broadcast %get3A_38 : vector<1x256xf32> to vector<400x256xf32>
    %add3A_40 = arith.addf %dot_general3A_35, %add3A_39 : vector<400x256xf32>
    %ge3A_41 = arith.constant 0.000000e+00 : f32
    %ge3A_42 = vector.broadcast %ge3A_41 : f32 to vector<400x256xf32>
    %ge3A_43 = arith.cmpf oge, %add3A_40, %ge3A_42 : vector<400x256xf32>
    %mul3A_44 = arith.constant 0.00999999977 : f32
    %mul3A_45 = vector.broadcast %mul3A_44 : f32 to vector<400x256xf32>
    %mul3A_46 = arith.mulf %mul3A_45, %add3A_40 : vector<400x256xf32>
    %select_n3A_47 = arith.select %ge3A_43, %add3A_40, %mul3A_46 : vector<400x256xi1>, vector<400x256xf32>
    %get3A_48 = arith.constant 0 : index
    %get3A_49 = arith.constant 0 : index
    %get3A_50 = vector.load %arg8[%get3A_48, %get3A_49] : memref<256x2xf32, #tpu.memory_space<vmem>>, vector<256x2xf32>
    %dot_general3A_51 = arith.constant dense<0.000000e+00> : vector<400x2xf32>
    %dot_general3A_52 = tpu.matmul %select_n3A_47, %get3A_50, %dot_general3A_51 {dimension_numbers = #tpu.dot_dimension_numbers<[1], [0], [0], [1], [0, 0, 1, 1], [], []>, transpose_lhs_hint = false} : vector<400x256xf32>, vector<256x2xf32>, vector<400x2xf32> -> vector<400x2xf32>
    %get3A_53 = arith.constant 0 : index
    %get3A_54 = arith.constant 0 : index
    %get3A_55 = vector.load %arg9[%get3A_53, %get3A_54] : memref<1x2xf32, #tpu.memory_space<vmem>>, vector<1x2xf32>
    %add3A_56 = vector.broadcast %get3A_55 : vector<1x2xf32> to vector<400x2xf32>
    %add3A_57 = arith.addf %dot_general3A_52, %add3A_56 : vector<400x2xf32>
    %logistic3A = arith.negf %add3A_57 : vector<400x2xf32>
    %logistic3A_58 = math.exp %logistic3A : vector<400x2xf32>
    %logistic3A_59 = arith.constant 1.000000e+00 : f32
    %logistic3A_60 = vector.broadcast %logistic3A_59 : f32 to vector<400x2xf32>
    %logistic3A_61 = arith.addf %logistic3A_60, %logistic3A_58 : vector<400x2xf32>
    %logistic3A_62 = arith.divf %logistic3A_60, %logistic3A_61 : vector<400x2xf32>
    %swap3A = arith.constant 0 : index
    %swap3A_63 = arith.constant 0 : index
    %swap3A_64 = vector.load %arg10[%swap3A, %swap3A_63] : memref<400x2xf32, #tpu.memory_space<vmem>>, vector<400x2xf32>
    tpu.vector_store %arg10[%swap3A, %swap3A_63], %logistic3A_62 {strides = array<i32>} : memref<400x2xf32, #tpu.memory_space<vmem>>, vector<400x2xf32>,
    return
  }
  func.func @transform_0(%arg0: i32) -> (i32, i32) {
    %c0_i32 = arith.constant 0 : i32
    %c0_i32_0 = arith.constant 0 : i32
    %c0_i32_1 = arith.constant 0 : i32
    return %c0_i32, %c0_i32_0 : i32, i32
  }
  func.func @transform_1(%arg0: i32) -> (i32, i32) {
    %c0_i32 = arith.constant 0 : i32
    %c0_i32_0 = arith.constant 0 : i32
    return %arg0, %c0_i32 : i32, i32
  }
  func.func @transform_2(%arg0: i32) -> (i32, i32, i32) {
    %c0_i32 = arith.constant 0 : i32
    %c0_i32_0 = arith.constant 0 : i32
    %c0_i32_1 = arith.constant 0 : i32
    return %c0_i32, %arg0, %c0_i32_0 : i32, i32, i32
  }
  func.func @transform_3(%arg0: i32) -> (i32, i32) {
    %c0_i32 = arith.constant 0 : i32
    %c0_i32_0 = arith.constant 0 : i32
    %c0_i32_1 = arith.constant 0 : i32
    return %c0_i32, %c0_i32_0 : i32, i32
  }
  func.func @transform_4(%arg0: i32) -> (i32, i32) {
    %c0_i32 = arith.constant 0 : i32
    %c0_i32_0 = arith.constant 0 : i32
    %c0_i32_1 = arith.constant 0 : i32
    return %c0_i32, %c0_i32_0 : i32, i32
  }
  func.func @transform_5(%arg0: i32) -> (i32, i32) {
    %c0_i32 = arith.constant 0 : i32
    %c0_i32_0 = arith.constant 0 : i32
    %c0_i32_1 = arith.constant 0 : i32
    return %c0_i32, %c0_i32_0 : i32, i32
  }
  func.func @transform_6(%arg0: i32) -> (i32, i32) {
    %c0_i32 = arith.constant 0 : i32
    %c0_i32_0 = arith.constant 0 : i32
    %c0_i32_1 = arith.constant 0 : i32
    return %c0_i32, %c0_i32_0 : i32, i32
  }
  func.func @transform_7(%arg0: i32) -> (i32, i32) {
    %c0_i32 = arith.constant 0 : i32
    %c0_i32_0 = arith.constant 0 : i32
    %c0_i32_1 = arith.constant 0 : i32
    return %c0_i32, %c0_i32_0 : i32, i32
  }
  func.func @transform_8(%arg0: i32) -> (i32, i32) {
    %c0_i32 = arith.constant 0 : i32
    %c0_i32_0 = arith.constant 0 : i32
    %c0_i32_1 = arith.constant 0 : i32
    return %c0_i32, %c0_i32_0 : i32, i32
  }
  func.func @transform_9(%arg0: i32) -> (i32, i32) {
    %c0_i32 = arith.constant 0 : i32
    %c0_i32_0 = arith.constant 0 : i32
    return %arg0, %c0_i32 : i32, i32
  }
}

</mosaic_0001>

<sc_bundles>
// kernel: kernel.10.cloned.1.call-start
scs
__scs_entry_jumppad:
0x0: {  	(pc) =	sbr.rel $0x88, $3  }
0x1: {  	(tag) =	ssettag $0x0;
	lr =	simm.s32 $0x1  }
0x2: {  	[smem:$0x3F93] =	sst lr;
	_ =	strace $0xD0000000  }
0x3: {  	_ = 	snop  }
0x4: {  	_ = 	snop  }
0x5: {  	_ = 	snop  }
0x6: {  	_ = 	snop  }
0x7: {  	_ = 	snop  }
__scs_overlays_trampoline_lowered:
0x8: {  	[smem:$0x3FA2] =	sst s0  }
0x9: {  	[smem:$0x3FA3] =	sst s1  }
0xa: {  	[smem:$0x3FA4] =	sst s2  }
0xb: {  	[smem:$0x3FA5] =	sst s3  }
0xc: {  	[smem:$0x3FA6] =	sst s4  }
0xd: {  	[smem:$0x3FA7] =	sst s5  }
0xe: {  	[smem:$0x3FA8] =	sst s6  }
0xf: {  	[smem:$0x3FA9] =	sst s7  }
0x10: {  	[smem:$0x3FAA] =	sst s8  }
0x11: {  	[smem:$0x3FAB] =	sst s9;
	s0 =	simm.s32 @!p0 $0x0  }
0x12: {  	s1 =	sld [smem:$0x3F91];
	s0 =	simm.s32 @p0 $0x1  }
0x13: {  	[smem:$0x3FAC] =	sst s0;
	s0 =	simm.s32 @!p1 $0x0  }
0x14: {  	s2 =	sld [smem:$0x3F90];
	s0 =	simm.s32 @p1 $0x1  }
0x15: {  	[smem:$0x3FAD] =	sst s0;
	s0 =	simm.s32 @!p2 $0x0  }
0x16: {  	s3 =	sld [smem:$0x3FDB];
	s0 =	simm.s32 @p2 $0x1  }
0x17: {  	s4 =	simm.s32 $0x1BF5;
	[smem:$0x3FAF] =	sst s0  }
0x18: {  	s0 =	sld [smem:$0x3F92];
	_ =	swait.ge [sflag:s4], $0x0  }
0x19: {  	s7 =	sld [smem:$0x3F93]  }
0x1a: {  	s8 =	sadd.s32 $0xFFFFE003, lr  }
0x1b: {  	s9 =	sadd.s32 $0xFFFFFEF7, lr;
	s5 =	simm.s32 $0xFFFFFFFF;
	p2 =	slt.u32 s8, $0xFFFFF086  }
0x1c: {  	p1 =	slt.u32 s9, $0xF7A;
	s5 =	simm.s32 @!p2 $0x0  }
0x1d: {  	s5 =	simm.s32 @p1 $0x1;
	p0 =	seq.s32 s7, s2  }
0x1e: {  	s7 =	smul.u32 @!p0 $0xF7A, s2;
	p2 =	seq.s32 @!p0 s5, $0x0  }
0x1f: {  	s9 =	smul.u32 $0xF7A, s1;
	s8 =	simm.s32 @!p0 $0x1BF5;
	p2 =	por !p2, p0  }
0x20: {  	[sflag:s8] =	ssyncset.s32 @!p0 $0xFFFFF086;
	s6 =	sadd.s32 @!p0 s3, s7;
	s7 =	simm.s32 @!p0 $0x108  }
0x21: {  	s3 =	sadd.s32 s3, s9;
	s6 =	sadd.s32 @!p0 $0x88, s6;
	s7 =	simm.s32 @p2 $0x1082  }
0x22: {  	[simem:s7], [sflag:s8] =	dma.local @!p0 [hbm:s6], $0xF7A  }
0x23: {  	s9 =	sor.u32 $0xD0000000, s2;
	s6 =	simm.s32 $0x108;
	_ =	swait.ge @!p0 [sflag:s8], $0x0  }
0x24: {  	s3 =	sadd.s32 $0x88, s3;
	s6 =	simm.s32 @!p1 $0x1082;
	[sflag:s4] =	ssyncset.s32 $0xFFFFF086  }
0x25: {  	[simem:s6], [sflag:s4] =	dma.local [hbm:s3], $0xF7A  }
0x26: {  	[smem:$0x3F93] =	sst s1;
	(tag) =	ssettag s2;
	_ =	strace s9  }
0x27: {  	s1 =	sld [smem:$0x3FA3]  }
0x28: {  	s2 =	sld [smem:$0x3FA4]  }
0x29: {  	s4 =	sld [smem:$0x3FA6]  }
0x2a: {  	p0 =	seq.s32 s5, $0x0;
	s5 =	sld [smem:$0x3FA7]  }
0x2b: {  	s6 =	sld [smem:$0x3FA8]  }
0x2c: {  	s7 =	sld [smem:$0x3FA9]  }
0x2d: {  	s3 =	simm.s32 $0x108;
	s8 =	sld [smem:$0x3FAA]  }
0x2e: {  	s3 =	simm.s32 @!p0 $0x1082;
	s9 =	sld [smem:$0x3FAB]  }
0x2f: {  	lr =	sadd.s32 s0, s3;
	s0 =	sld [smem:$0x3FA2]  }
0x30: {  	s3 =	sld [smem:$0x3FA5]  }
0x31: {  	[smem:$0x3FAE] =	sst s10  }
0x32: {  	s10 =	sld [smem:$0x3FAC];
	_ =	sdelay $0x3  }
0x33: {  	p0 =	seq.s32 s10, $0x1;
	s10 =	sld [smem:$0x3FAE];
	_ =	sdelay $0x3  }
0x34: {  	[smem:$0x3FAE] =	sst s10  }
0x35: {  	s10 =	sld [smem:$0x3FAD];
	_ =	sdelay $0x3  }
0x36: {  	p1 =	seq.s32 s10, $0x1;
	s10 =	sld [smem:$0x3FAE];
	_ =	sdelay $0x3  }
0x37: {  	[smem:$0x3FAE] =	sst s10  }
0x38: {  	s10 =	sld [smem:$0x3FAF]  }
0x39: {  	_ = 	snop;
	(pc) =	sbr.ind lr, $3  }
0x3a: {  	_ = 	snop  }
0x3b: {  	_ = 	snop  }
0x3c: {  	p2 =	seq.s32 s10, $0x1;
	s10 =	sld [smem:$0x3FAE]  }
0x3d: {  	_ =	shalt  }
0x3e: {  	_ =	shalt  }
0x3f: {  	_ =	shalt  }
0x40: {  	_ =	shalt  }
0x41: {  	_ =	shalt  }
0x42: {  	_ =	shalt  }
0x43: {  	_ =	shalt  }
0x44: {  	_ =	shalt  }
0x45: {  	_ =	shalt  }
0x46: {  	_ =	shalt  }
0x47: {  	_ =	shalt  }
0x48: {  	_ =	shalt  }
0x49: {  	_ =	shalt  }
0x4a: {  	_ =	shalt  }
0x4b: {  	_ =	shalt  }
0x4c: {  	_ =	shalt  }
0x4d: {  	_ =	shalt  }
0x4e: {  	_ =	shalt  }
0x4f: {  	_ =	shalt  }
0x50: {  	_ =	shalt  }
0x51: {  	_ =	shalt  }
0x52: {  	_ =	shalt  }
0x53: {  	_ =	shalt  }
0x54: {  	_ =	shalt  }
0x55: {  	_ =	shalt  }
0x56: {  	_ =	shalt  }
0x57: {  	_ =	shalt  }
0x58: {  	_ =	shalt  }
0x59: {  	_ =	shalt  }
0x5a: {  	_ =	shalt  }
0x5b: {  	_ =	shalt  }
0x5c: {  	_ =	shalt  }
0x5d: {  	_ =	shalt  }
0x5e: {  	_ =	shalt  }
0x5f: {  	_ =	shalt  }
0x60: {  	_ =	shalt  }
0x61: {  	_ =	shalt  }
0x62: {  	_ =	shalt  }
0x63: {  	_ =	shalt  }
0x64: {  	_ =	shalt  }
0x65: {  	_ =	shalt  }
0x66: {  	_ =	shalt  }
0x67: {  	_ =	shalt  }
0x68: {  	_ =	shalt  }
0x69: {  	_ =	shalt  }
0x6a: {  	_ =	shalt  }
0x6b: {  	_ =	shalt  }
0x6c: {  	_ =	shalt  }
0x6d: {  	_ =	shalt  }
0x6e: {  	_ =	shalt  }
0x6f: {  	_ =	shalt  }
0x70: {  	_ =	shalt  }
0x71: {  	_ =	shalt  }
0x72: {  	_ =	shalt  }
0x73: {  	_ =	shalt  }
0x74: {  	_ =	shalt  }
0x75: {  	_ =	shalt  }
0x76: {  	_ =	shalt  }
0x77: {  	_ =	shalt  }
0x78: {  	_ =	shalt  }
0x79: {  	_ =	shalt  }
0x7a: {  	_ =	shalt  }
0x7b: {  	_ =	shalt  }
0x7c: {  	_ =	shalt  }
0x7d: {  	_ =	shalt  }
0x7e: {  	_ =	shalt  }
0x7f: {  	_ =	shalt  }
0x80: {  	_ =	shalt  }
0x81: {  	_ =	shalt  }
0x82: {  	_ =	shalt  }
0x83: {  	_ =	shalt  }
0x84: {  	_ =	shalt  }
0x85: {  	_ =	shalt  }
0x86: {  	_ =	shalt  }
0x87: {  	_ =	shalt  }
.Lfunc_end0:
.L_simem_size_0:
called_computation.1_lowered:
.L_overlay_start_0:
0x88: {  	s2 =	sld [smem:$0x3FD9]  }
0x89: {  	s3 =	sld [smem:$0x3FFE];
	_ =	sdelay $0x1  }
0x8a: {  	s1 =	srdreg.scid  }
0x8b: {  	s0 =	sand.u32 $0x1, s1  }
0x8c: {  	s17 =	sshll.u32 s0, $0xA;
	s2 =	sadd.s32 s3, s2  }
0x8d: {  	s2 =	sadd.s32 s2, s17  }
0x8e: {  	[smem:$0x3FBA] =	sst s2  }
0x8f: {  	_ = 	snop  }
0x90: {  	s2 =	sld [smem:$0x3FD0];
	(tm) =	ssettm $0x1  }
0x91: {  	s18 =	sld [smem:$0x3FFB];
	_ =	sdelay $0x3  }
0x92: {  	_ =	strace s18  }
0x93: {  	s3 =	sld [smem:$0x3FFC];
	_ =	sdelay $0x3  }
0x94: {  	_ =	strace s3  }
0x95: {  	s3 =	sld [smem:$0x3FFD];
	_ =	sdelay $0x3  }
0x96: {  	_ =	strace s3  }
0x97: {  	_ =	strace $0x8FFFFFFF  }
0x98: {  	s19 =	sld [smem:$0x3FDB];
	_ =	sdelay $0x1  }
0x99: {  	s4 =	simm.s32 $_scs_section_size  }
0x9a: {  	s5 =	simm.s32 $_size__tile_overlayer_lowered;
	s6 =	simm.s32 $_tile_overlayer_lowered  }
0x9b: {  	s22 =	simm.s32 $0x1BFF;
	s21 =	sshll.u32 s6, $0x1;
	s3 =	sadd.s32 s4, s19  }
0x9c: {  	s7 =	simm.s32 $0x0;
	s20 =	sshll.u32 s5, $0x1;
	s5 =	sadd.s32 s21, s3  }
0x9d: {  	[timem:s7], [sflag:s22] =	dma.local [hbm:s5], s20  }
0x9e: {  	_ =	swait.ge [sflag:s22], s20  }
0x9f: {  	s4 =	ssub.s32 $0x0, s20;
	[sflag:s22] =	ssyncset.done $0x0  }
0xa0: {  	[sflag:s22] =	ssyncadd.s32 s4;
	_ =	sdelay $0x1  }
0xa1: {  	s23 =	simm.s32 $0x1B8B  }
0xa2: {  	_ =	swait.ge [sflag:s23], $0x1  }
0xa3: {  	[sflag:s23] =	ssyncset.done $0x0  }
0xa4: {  	s25 =	simm.s32 $0x1B8E;
	s24 =	sld [smem:$0x3FFE];
	[sflag:s23] =	ssyncadd.s32 $0xFFFFFFFF  }
0xa5: {  	s26 =	simm.s32 $execute0_lowered;
	[smem:$0x3FD2] =	sst s25  }
0xa6: {  	s5 =	sshll.u32 s26, $0x1;
	_ =	strace $0x80000049;
	[dreg:$0x1] =	wrdreg $0xFFFFFFFF  }
0xa7: {  	s28 =	simm.s32 $_size_execute0_lowered;
	s3 =	sadd.s32 s3, s5;
	[dreg:$0x0] =	wrdreg $0x0  }
0xa8: {  	s5 =	sshll.u32 s28, $0x1;
	[dreg:$0x2] =	wrdreg s3  }
0xa9: {  	[dreg:$0x3] =	wrdreg s5  }
0xaa: {  	[dreg:$0x4] =	wrdreg $0xC0  }
0xab: {  	_ =	task [dreg:s7], $0x5FFFF  }
0xac: {  	[dreg:$0x1] =	wrdreg $0xFFFFFFFF  }
0xad: {  	[dreg:$0x0] =	wrdreg $0x60  }
0xae: {  	[dreg:$0x2] =	wrdreg s24  }
0xaf: {  	[dreg:$0x3] =	wrdreg s2  }
0xb0: {  	[dreg:$0x4] =	wrdreg $0x0  }
0xb1: {  	[dreg:$0x5] =	wrdreg $0x9  }
0xb2: {  	_ =	task.clear_ibuf [dreg:s7], $0x6FFFF;
	_ =	strace $0x90000049  }
0xb3: {  	s29 =	simm.s32 $0x9;
	_ =	strace $0x8000004B  }
0xb4: {  	_ =	swait.ge [sflag:s29], $0x1  }
0xb5: {  	[sflag:s29] =	ssyncadd.s32 $0xFFFFFFFF  }
0xb6: {  	_ =	strace $0x9000004B  }
0xb7: {  	_ =	sfence  }
0xb8: {  	s30 =	sld [smem:$0x0];
	_ =	sdelay $0x2  }
0xb9: {  	s31 =	sshll.u32 s1, $0xD;
	s1 =	sshrl.u32 s1, $0x2  }
0xba: {  	s3 =	sand.u32 $0x4000, s31;
	s1 =	sadd.s32 s1, s30  }
0xbb: {  	s0 =	sor.u32 s3, s0;
	s1 =	sshll.u32 s1, $0x11  }
0xbc: {  	s0 =	sor.u32 s1, s0  }
0xbd: {  	s0 =	sadd.s32 $0x8F2B, s0  }
0xbe: {  	[sflag:s0] =	ssyncadd.remote.s32 $0x1  }
0xbf: {  	_ =	sfence.sel $0xFFFF  }
0xc0: {  	[dreg:$0x0] =	wrdreg $0xFFFFFFFF;
	(pc) =	sbr.abs _section_cstart, $3  }
0xc1: {  	[dreg:$0x1] =	wrdreg $0xFFFFFFFF  }
0xc2: {  	_ =	task.clear_ibuf [dreg:s7], $0x2FFFF;
	_ =	strace $0x9FFFFFFF  }
0xc3: {  	(tm) =	ssettm $0x7FFFFFFF  }
tec
execute0_lowered:
.L_overlay_start_1:
0x0: {  	(tag) =	ssettag $0x1  }
0x1: {  	s6 =	rddreg [dreg:$0x0]  }
0x2: {  	s7 =	rddreg [dreg:$0x1]  }
0x3: {  	s0 =	stileid.u32;
	s1 =	srdreg.scid  }
0x4: {  	s2 =	rddreg [dreg:$0x2];
	s3 =	simm.s32 $0x0;
	s15 =	simm.s32 $0x80  }
0x5: {  	s16 =	simm.s32 $0x19800;
	s17 =	simm.s32 $0x1;
	s8 =	smul.u32 $0x2800, s0  }
0x6: {  	s5 =	sand.u32 $0x1, s1;
	s1 =	rddreg [dreg:$0x3];
	s11 =	smul.u32 $0x14800, s0  }
0x7: {  	s18 =	simm.s32 $0x0;
	[smem:$0x7FF] =	sst s3;
	s12 =	smul.u32 $0x52000, s0  }
0x8: {  	s4 =	sadd.s32 $0x2E00, s6;
	s30 =	sshll.u32 s0, $0x6;
	s9 =	smul.u32 $0x148000, s5  }
0x9: {  	_ =	strace $0x8000004A;
	s28 =	ssub.s32 $0x2, s5;
	s14 =	smul.u32 $0x28000, s5  }
0xa: {  	s5 =	sadd.s32 $0x60000, s6;
	s10 =	sshrl.u32 s8, $0x3;
	s13 =	sshrl.u32 s28, $0x1  }
0xb: {  	s29 =	sshrl.u32 s12, $0x2;
	s12 =	simm.s32 $0x2;
	s10 =	sadd.s32 s10, s6  }
0xc: {  	s9 =	sadd.s32 s11, s9;
	s11 =	ssub.s32 s28, s13;
	s8 =	sadd.s32 s8, s14  }
0xd: {  	s31 =	sadd.s32 s29, s2;
	s13 =	simm.s32 $0x14800;
	s9 =	sshrl.u32 s9, $0x3  }
0xe: {  	s14 =	simm.s32 $0x17000;
	s8 =	sshrl.u32 s8, $0x3;
	s9 =	sadd.s32 s9, s6  }
0xf: {  	s6 =	sor.u32 $0x1C02, s30;
	s7 =	sadd.s32 s7, s8;
	s8 =	sadd.s32 $0x51000, s10  }
0x10: {  	s10 =	smax.u32 s11, $0x1;
	s11 =	sshrl.u32 s31, $0x3;
	s9 =	sadd.s32 $0x62A00, s9  }
.LBB2_1:
0x11: {  	[spmem:s11], [sflag:s6] =	dma.local [hbm:s5], $0x2900  }
0x12: {  	_ =	swait.ge [sflag:s12], $0x2900  }
0x13: {  	[sflag:s12] =	ssyncset.done $0x0  }
0x14: {  	[sflag:s12] =	ssyncadd.s32 $0xFFFFD700  }
0x15: {  	[tilespmem:s13], [sflag:$0x2] =	stream.linear.gather [hbm4b:s7+s3], $0x2800, $0x38;
	[tilespmem:$0x1D800] =	vst v63  }
0x16: {  	_ =	swait.ge [sflag:s12], $0x2800  }
0x17: {  	[sflag:s12] =	ssyncset.done $0x0  }
0x18: {  	[sflag:s12] =	ssyncadd.s32 $0xFFFFD800  }
0x19: {  	[tilespmem:s14], [sflag:$0x2] =	stream.linear.gather [hbm4b:s8+s3], $0x2800, $0x38;
	[tilespmem:$0x1D800] =	vst v63  }
0x1a: {  	_ =	swait.ge [sflag:s12], $0x2800  }
0x1b: {  	[sflag:s12] =	ssyncset.done $0x0  }
0x1c: {  	[sflag:s12] =	ssyncadd.s32 $0xFFFFD800  }
0x1d: {  	s19 =	simm.s32 $0x14800;
	[bflag:$0x0] =	sbarrier.arrive $0xFFFF  }
0x1e: {  	[tilespmem:s16], [sflag:$0x1] =	stream.indirect.gather [hbm4b:s4+s15], $0x80, s19, s15, $0xb8;
	[tilespmem:$0x1D800] =	vst v63  }
0x1f: {  	_ =	swait.ge [sflag:s17], $0x4000  }
0x20: {  	[sflag:s17] =	ssyncset.done $0x0  }
0x21: {  	s31 =	simm.s32 $0x17000;
	[sflag:s17] =	ssyncadd.s32 $0xFFFFC000  }
0x22: {  	[spmem:s2] =	stream.indirect.scatter.add.f32 [tilespmem:s16], [sflag:$0x2], $0x80, s31, s15, $0xb8;
	[tilespmem:$0x1D800] =	vst v63  }
0x23: {  	_ =	swait.ge [sflag:s12], $0x4000  }
0x24: {  	s20 =	simm.s32 $0x400;
	s19 =	simm.s32 $0x80;
	[sflag:s12] =	ssyncset.done $0x0  }
.LBB2_2:
0x25: {  	s21 =	sadd.s32 $0x14800, s19  }
0x26: {  	[sflag:s12] =	ssyncadd.s32 $0xFFFFC000;
	s22 =	smov.u32 s20;
	s23 =	sadd.s32 $0x200, s20  }
0x27: {  	[tilespmem:s16], [sflag:$0x1] =	stream.indirect.gather [hbm4b:s4+s15], $0x80, s21, s15, $0xb8;
	[tilespmem:$0x1D800] =	vst v63  }
0x28: {  	p0 =	sne.s32 s20, $0x9E00;
	_ =	swait.ge [sflag:s17], $0x4000  }
.Ltmp0:
0x29: {  	[sflag:s17] =	ssyncset.done $0x0;
	(pc) =	sbr.rel @p0 .LBB2_2-.Ltmp0, $4  }
0x2a: {  	s19 =	sadd.s32 $0x17000, s19;
	[sflag:s17] =	ssyncadd.s32 $0xFFFFC000  }
0x2b: {  	[spmem:s2] =	stream.indirect.scatter.add.f32 [tilespmem:s16], [sflag:$0x2], $0x80, s19, s15, $0xb8;
	[tilespmem:$0x1D800] =	vst v63  }
0x2c: {  	_ =	swait.ge [sflag:s12], $0x4000  }
0x2d: {  	s20 =	smov.u32 s23;
	s19 =	sshra.s32 s22, $0x2;
	[sflag:s12] =	ssyncset.done $0x0  }
0x2e: {  	s20 =	sadd.s32 $0x14800, s19;
	[sflag:s12] =	ssyncadd.s32 $0xFFFFC000  }
0x2f: {  	[tilespmem:s16], [sflag:$0x1] =	stream.indirect.gather [hbm4b:s4+s15], $0x80, s20, s15, $0xb8;
	[tilespmem:$0x1D800] =	vst v63  }
0x30: {  	_ =	swait.ge [sflag:s17], $0x4000  }
0x31: {  	[sflag:s17] =	ssyncset.done $0x0  }
0x32: {  	s31 =	sadd.s32 $0x17000, s19;
	[sflag:s17] =	ssyncadd.s32 $0xFFFFC000  }
0x33: {  	[spmem:s2] =	stream.indirect.scatter.add.f32 [tilespmem:s16], [sflag:$0x2], $0x80, s31, s15, $0xb8;
	[tilespmem:$0x1D800] =	vst v63  }
0x34: {  	_ =	swait.ge [sflag:s12], $0x4000  }
0x35: {  	s18 =	sadd.s32 $0x1, s18;
	[sflag:s12] =	ssyncset.done $0x0  }
0x36: {  	p0 =	sne.s32 s18, s10;
	[sflag:s12] =	ssyncadd.s32 $0xFFFFC000  }
.Ltmp1:
0x37: {  	[bflag:$0x0] =	sbarrier.arrive $0xFFFF;
	(pc) =	sbr.rel @p0 .LBB2_1-.Ltmp1, $4  }
0x38: {  	[hbm:s9], [sflag:s6] =	dma.local [spmem:s11], $0x2900  }
0x39: {  	_ =	swait.ge [sflag:s12], $0x2900  }
0x3a: {  	[sflag:s12] =	ssyncset.done $0x0  }
0x3b: {  	[sflag:s12] =	ssyncadd.s32 $0xFFFFD700  }
0x3c: {  	_ =	sfence.sel $0x180000  }
0x3d: {  	[bflag:$0x0] =	sbarrier.arrive $0xFFFF  }
0x3e: {  	p0 =	sne.s32 s0, $0x0;
	_ =	strace $0x9000004A  }
0x3f: {  	s0 =	sadd.s32 @!p0 $0x100000, s1;
	[bflag:$0x2] =	sbarrier.arrive $0xFFFF  }
0x40: {  	[sflag:s0] =	ssyncadd.tile.s32 @!p0 $0x1;
	_ =	shalt  }
.Lfunc_end2:
_tile_overlayer_lowered:
.L_overlay_start_2:
0x41: {  	(tag) =	ssettag $0x2  }
0x42: {  	s0 =	rddreg [dreg:$0x0];
	s2 =	stileid.u32  }
0x43: {  	s1 =	rddreg [dreg:$0x1];
	p0 =	sne.s32 s2, $0x0  }
0x44: {  	s3 =	rddreg [dreg:$0x2];
	[bflag:$0x3] =	sbarrier.arrive $0xFFFF;
	s2 =	simm.s32 @!p0 $0x1C02  }
0x45: {  	[timem:s3], [sflag:s2] =	dma.local @!p0 [hbm:s0], s1  }
0x46: {  	s0 =	simm.s32 @!p0 $0x2  }
0x47: {  	_ =	swait.ge @!p0 [sflag:s0], s1  }
0x48: {  	s1 =	ssub.s32 @!p0 $0x0, s1;
	[sflag:s0] =	ssyncset.done @!p0 $0x0  }
0x49: {  	[sflag:s0] =	ssyncadd.s32 @!p0 s1  }
0x4a: {  	[bflag:$0x3] =	sbarrier.arrive $0xFFFF  }
0x4b: {  	_ =	shalt  }

// kernel: kernel.13.cloned.1.call-start
scs
__scs_entry_jumppad:
0x0: {  	(pc) =	sbr.rel $0x88, $3  }
0x1: {  	(tag) =	ssettag $0x0;
	lr =	simm.s32 $0x1  }
0x2: {  	[smem:$0x3F93] =	sst lr;
	_ =	strace $0xD0000000  }
0x3: {  	_ = 	snop  }
0x4: {  	_ = 	snop  }
0x5: {  	_ = 	snop  }
0x6: {  	_ = 	snop  }
0x7: {  	_ = 	snop  }
__scs_overlays_trampoline_lowered:
0x8: {  	[smem:$0x3FA2] =	sst s0  }
0x9: {  	[smem:$0x3FA3] =	sst s1  }
0xa: {  	[smem:$0x3FA4] =	sst s2  }
0xb: {  	[smem:$0x3FA5] =	sst s3  }
0xc: {  	[smem:$0x3FA6] =	sst s4  }
0xd: {  	[smem:$0x3FA7] =	sst s5  }
0xe: {  	[smem:$0x3FA8] =	sst s6  }
0xf: {  	[smem:$0x3FA9] =	sst s7  }
0x10: {  	[smem:$0x3FAA] =	sst s8  }
0x11: {  	[smem:$0x3FAB] =	sst s9;
	s0 =	simm.s32 @!p0 $0x0  }
0x12: {  	s1 =	sld [smem:$0x3F91];
	s0 =	simm.s32 @p0 $0x1  }
0x13: {  	[smem:$0x3FAC] =	sst s0;
	s0 =	simm.s32 @!p1 $0x0  }
0x14: {  	s2 =	sld [smem:$0x3F90];
	s0 =	simm.s32 @p1 $0x1  }
0x15: {  	[smem:$0x3FAD] =	sst s0;
	s0 =	simm.s32 @!p2 $0x0  }
0x16: {  	s3 =	sld [smem:$0x3FDB];
	s0 =	simm.s32 @p2 $0x1  }
0x17: {  	s4 =	simm.s32 $0x1BF5;
	[smem:$0x3FAF] =	sst s0  }
0x18: {  	s0 =	sld [smem:$0x3F92];
	_ =	swait.ge [sflag:s4], $0x0  }
0x19: {  	s7 =	sld [smem:$0x3F93]  }
0x1a: {  	s8 =	sadd.s32 $0xFFFFE003, lr  }
0x1b: {  	s9 =	sadd.s32 $0xFFFFFEF7, lr;
	s5 =	simm.s32 $0xFFFFFFFF;
	p2 =	slt.u32 s8, $0xFFFFF086  }
0x1c: {  	p1 =	slt.u32 s9, $0xF7A;
	s5 =	simm.s32 @!p2 $0x0  }
0x1d: {  	s5 =	simm.s32 @p1 $0x1;
	p0 =	seq.s32 s7, s2  }
0x1e: {  	s7 =	smul.u32 @!p0 $0xF7A, s2;
	p2 =	seq.s32 @!p0 s5, $0x0  }
0x1f: {  	s9 =	smul.u32 $0xF7A, s1;
	s8 =	simm.s32 @!p0 $0x1BF5;
	p2 =	por !p2, p0  }
0x20: {  	[sflag:s8] =	ssyncset.s32 @!p0 $0xFFFFF086;
	s6 =	sadd.s32 @!p0 s3, s7;
	s7 =	simm.s32 @!p0 $0x108  }
0x21: {  	s3 =	sadd.s32 s3, s9;
	s6 =	sadd.s32 @!p0 $0x88, s6;
	s7 =	simm.s32 @p2 $0x1082  }
0x22: {  	[simem:s7], [sflag:s8] =	dma.local @!p0 [hbm:s6], $0xF7A  }
0x23: {  	s9 =	sor.u32 $0xD0000000, s2;
	s6 =	simm.s32 $0x108;
	_ =	swait.ge @!p0 [sflag:s8], $0x0  }
0x24: {  	s3 =	sadd.s32 $0x88, s3;
	s6 =	simm.s32 @!p1 $0x1082;
	[sflag:s4] =	ssyncset.s32 $0xFFFFF086  }
0x25: {  	[simem:s6], [sflag:s4] =	dma.local [hbm:s3], $0xF7A  }
0x26: {  	[smem:$0x3F93] =	sst s1;
	(tag) =	ssettag s2;
	_ =	strace s9  }
0x27: {  	s1 =	sld [smem:$0x3FA3]  }
0x28: {  	s2 =	sld [smem:$0x3FA4]  }
0x29: {  	s4 =	sld [smem:$0x3FA6]  }
0x2a: {  	p0 =	seq.s32 s5, $0x0;
	s5 =	sld [smem:$0x3FA7]  }
0x2b: {  	s6 =	sld [smem:$0x3FA8]  }
0x2c: {  	s7 =	sld [smem:$0x3FA9]  }
0x2d: {  	s3 =	simm.s32 $0x108;
	s8 =	sld [smem:$0x3FAA]  }
0x2e: {  	s3 =	simm.s32 @!p0 $0x1082;
	s9 =	sld [smem:$0x3FAB]  }
0x2f: {  	lr =	sadd.s32 s0, s3;
	s0 =	sld [smem:$0x3FA2]  }
0x30: {  	s3 =	sld [smem:$0x3FA5]  }
0x31: {  	[smem:$0x3FAE] =	sst s10  }
0x32: {  	s10 =	sld [smem:$0x3FAC];
	_ =	sdelay $0x3  }
0x33: {  	p0 =	seq.s32 s10, $0x1;
	s10 =	sld [smem:$0x3FAE];
	_ =	sdelay $0x3  }
0x34: {  	[smem:$0x3FAE] =	sst s10  }
0x35: {  	s10 =	sld [smem:$0x3FAD];
	_ =	sdelay $0x3  }
0x36: {  	p1 =	seq.s32 s10, $0x1;
	s10 =	sld [smem:$0x3FAE];
	_ =	sdelay $0x3  }
0x37: {  	[smem:$0x3FAE] =	sst s10  }
0x38: {  	s10 =	sld [smem:$0x3FAF]  }
0x39: {  	_ = 	snop;
	(pc) =	sbr.ind lr, $3  }
0x3a: {  	_ = 	snop  }
0x3b: {  	_ = 	snop  }
0x3c: {  	p2 =	seq.s32 s10, $0x1;
	s10 =	sld [smem:$0x3FAE]  }
0x3d: {  	_ =	shalt  }
0x3e: {  	_ =	shalt  }
0x3f: {  	_ =	shalt  }
0x40: {  	_ =	shalt  }
0x41: {  	_ =	shalt  }
0x42: {  	_ =	shalt  }
0x43: {  	_ =	shalt  }
0x44: {  	_ =	shalt  }
0x45: {  	_ =	shalt  }
0x46: {  	_ =	shalt  }
0x47: {  	_ =	shalt  }
0x48: {  	_ =	shalt  }
0x49: {  	_ =	shalt  }
0x4a: {  	_ =	shalt  }
0x4b: {  	_ =	shalt  }
0x4c: {  	_ =	shalt  }
0x4d: {  	_ =	shalt  }
0x4e: {  	_ =	shalt  }
0x4f: {  	_ =	shalt  }
0x50: {  	_ =	shalt  }
0x51: {  	_ =	shalt  }
0x52: {  	_ =	shalt  }
0x53: {  	_ =	shalt  }
0x54: {  	_ =	shalt  }
0x55: {  	_ =	shalt  }
0x56: {  	_ =	shalt  }
0x57: {  	_ =	shalt  }
0x58: {  	_ =	shalt  }
0x59: {  	_ =	shalt  }
0x5a: {  	_ =	shalt  }
0x5b: {  	_ =	shalt  }
0x5c: {  	_ =	shalt  }
0x5d: {  	_ =	shalt  }
0x5e: {  	_ =	shalt  }
0x5f: {  	_ =	shalt  }
0x60: {  	_ =	shalt  }
0x61: {  	_ =	shalt  }
0x62: {  	_ =	shalt  }
0x63: {  	_ =	shalt  }
0x64: {  	_ =	shalt  }
0x65: {  	_ =	shalt  }
0x66: {  	_ =	shalt  }
0x67: {  	_ =	shalt  }
0x68: {  	_ =	shalt  }
0x69: {  	_ =	shalt  }
0x6a: {  	_ =	shalt  }
0x6b: {  	_ =	shalt  }
0x6c: {  	_ =	shalt  }
0x6d: {  	_ =	shalt  }
0x6e: {  	_ =	shalt  }
0x6f: {  	_ =	shalt  }
0x70: {  	_ =	shalt  }
0x71: {  	_ =	shalt  }
0x72: {  	_ =	shalt  }
0x73: {  	_ =	shalt  }
0x74: {  	_ =	shalt  }
0x75: {  	_ =	shalt  }
0x76: {  	_ =	shalt  }
0x77: {  	_ =	shalt  }
0x78: {  	_ =	shalt  }
0x79: {  	_ =	shalt  }
0x7a: {  	_ =	shalt  }
0x7b: {  	_ =	shalt  }
0x7c: {  	_ =	shalt  }
0x7d: {  	_ =	shalt  }
0x7e: {  	_ =	shalt  }
0x7f: {  	_ =	shalt  }
0x80: {  	_ =	shalt  }
0x81: {  	_ =	shalt  }
0x82: {  	_ =	shalt  }
0x83: {  	_ =	shalt  }
0x84: {  	_ =	shalt  }
0x85: {  	_ =	shalt  }
0x86: {  	_ =	shalt  }
0x87: {  	_ =	shalt  }
.Lfunc_end0:
.L_simem_size_0:
called_computation.2_lowered:
.L_overlay_start_0:
0x88: {  	s2 =	sld [smem:$0x3FD9]  }
0x89: {  	s3 =	sld [smem:$0x3FFE];
	_ =	sdelay $0x1  }
0x8a: {  	s1 =	srdreg.scid  }
0x8b: {  	s0 =	sand.u32 $0x1, s1  }
0x8c: {  	s17 =	sshll.u32 s0, $0xA;
	s2 =	sadd.s32 s3, s2  }
0x8d: {  	s2 =	sadd.s32 s2, s17  }
0x8e: {  	[smem:$0x3FBA] =	sst s2  }
0x8f: {  	_ = 	snop  }
0x90: {  	s2 =	sld [smem:$0x3FD0];
	(tm) =	ssettm $0x1  }
0x91: {  	s18 =	sld [smem:$0x3FFB];
	_ =	sdelay $0x3  }
0x92: {  	_ =	strace s18  }
0x93: {  	s3 =	sld [smem:$0x3FFC];
	_ =	sdelay $0x3  }
0x94: {  	_ =	strace s3  }
0x95: {  	s3 =	sld [smem:$0x3FFD];
	_ =	sdelay $0x3  }
0x96: {  	_ =	strace s3  }
0x97: {  	_ =	strace $0x8FFFFFFF  }
0x98: {  	s19 =	sld [smem:$0x3FDB];
	_ =	sdelay $0x1  }
0x99: {  	s4 =	simm.s32 $_scs_section_size  }
0x9a: {  	s5 =	simm.s32 $_size__tile_overlayer_lowered;
	s6 =	simm.s32 $_tile_overlayer_lowered  }
0x9b: {  	s22 =	simm.s32 $0x1BFF;
	s21 =	sshll.u32 s6, $0x1;
	s3 =	sadd.s32 s4, s19  }
0x9c: {  	s7 =	simm.s32 $0x0;
	s20 =	sshll.u32 s5, $0x1;
	s5 =	sadd.s32 s21, s3  }
0x9d: {  	[timem:s7], [sflag:s22] =	dma.local [hbm:s5], s20  }
0x9e: {  	_ =	swait.ge [sflag:s22], s20  }
0x9f: {  	s4 =	ssub.s32 $0x0, s20;
	[sflag:s22] =	ssyncset.done $0x0  }
0xa0: {  	[sflag:s22] =	ssyncadd.s32 s4;
	_ =	sdelay $0x1  }
0xa1: {  	s23 =	simm.s32 $0x1B8B  }
0xa2: {  	_ =	swait.ge [sflag:s23], $0x1  }
0xa3: {  	[sflag:s23] =	ssyncset.done $0x0  }
0xa4: {  	s25 =	simm.s32 $0x1B8E;
	s24 =	sld [smem:$0x3FFE];
	[sflag:s23] =	ssyncadd.s32 $0xFFFFFFFF  }
0xa5: {  	s26 =	simm.s32 $execute0_lowered;
	[smem:$0x3FD2] =	sst s25  }
0xa6: {  	s5 =	sshll.u32 s26, $0x1;
	_ =	strace $0x8000004C;
	[dreg:$0x1] =	wrdreg $0xFFFFFFFF  }
0xa7: {  	s28 =	simm.s32 $_size_execute0_lowered;
	s3 =	sadd.s32 s3, s5;
	[dreg:$0x0] =	wrdreg $0x0  }
0xa8: {  	s5 =	sshll.u32 s28, $0x1;
	[dreg:$0x2] =	wrdreg s3  }
0xa9: {  	[dreg:$0x3] =	wrdreg s5  }
0xaa: {  	[dreg:$0x4] =	wrdreg $0xC0  }
0xab: {  	_ =	task [dreg:s7], $0x5FFFF  }
0xac: {  	[dreg:$0x1] =	wrdreg $0xFFFFFFFF  }
0xad: {  	[dreg:$0x0] =	wrdreg $0x60  }
0xae: {  	[dreg:$0x2] =	wrdreg s24  }
0xaf: {  	[dreg:$0x3] =	wrdreg s2  }
0xb0: {  	[dreg:$0x4] =	wrdreg $0x9  }
0xb1: {  	_ =	task.clear_ibuf [dreg:s7], $0x5FFFF;
	_ =	strace $0x9000004C  }
0xb2: {  	s29 =	simm.s32 $0x9;
	_ =	strace $0x8000004E  }
0xb3: {  	_ =	swait.ge [sflag:s29], $0x1  }
0xb4: {  	[sflag:s29] =	ssyncadd.s32 $0xFFFFFFFF  }
0xb5: {  	_ =	strace $0x9000004E  }
0xb6: {  	_ =	sfence  }
0xb7: {  	s30 =	sld [smem:$0x0];
	_ =	sdelay $0x2  }
0xb8: {  	s31 =	sshll.u32 s1, $0xD;
	s1 =	sshrl.u32 s1, $0x2  }
0xb9: {  	s3 =	sand.u32 $0x4000, s31;
	s1 =	sadd.s32 s1, s30  }
0xba: {  	s0 =	sor.u32 s3, s0;
	s1 =	sshll.u32 s1, $0x11  }
0xbb: {  	s0 =	sor.u32 s1, s0  }
0xbc: {  	s0 =	sadd.s32 $0x8F2B, s0  }
0xbd: {  	[sflag:s0] =	ssyncadd.remote.s32 $0x1  }
0xbe: {  	_ =	sfence.sel $0xFFFF  }
0xbf: {  	[dreg:$0x0] =	wrdreg $0xFFFFFFFF;
	(pc) =	sbr.abs _section_cstart, $3  }
0xc0: {  	[dreg:$0x1] =	wrdreg $0xFFFFFFFF  }
0xc1: {  	_ =	task.clear_ibuf [dreg:s7], $0x2FFFF;
	_ =	strace $0x9FFFFFFF  }
0xc2: {  	(tm) =	ssettm $0x7FFFFFFF  }
0xc3: {  	_ =	shalt  }
tec
execute0_lowered:
.L_overlay_start_1:
0x0: {  	(tag) =	ssettag $0x1  }
0x1: {  	s4 =	rddreg [dreg:$0x0];
	s1 =	srdreg.scid  }
0x2: {  	s0 =	stileid.u32;
	s6 =	rddreg [dreg:$0x1]  }
0x3: {  	s2 =	simm.s32 $0x0;
	s10 =	simm.s32 $0x4E80;
	s11 =	simm.s32 $0x6280  }
0x4: {  	s12 =	simm.s32 $0x7680;
	s3 =	sand.u32 $0x1, s1;
	s5 =	sshll.u32 s0, $0x1  }
0x5: {  	s13 =	simm.s32 $0x8A80;
	s14 =	simm.s32 $0x0;
	s5 =	sor.u32 s3, s5  }
0x6: {  	[smem:$0x7FF] =	sst s2;
	s30 =	ssub.s32 $0x2, s3;
	s7 =	smul.u32 $0x280, s5  }
0x7: {  	s1 =	rddreg [dreg:$0x2];
	_ =	strace $0x8000004D;
	s31 =	sshrl.u32 s30, $0x1  }
0x8: {  	s3 =	sadd.s32 $0x2E00, s4;
	s9 =	ssub.s32 s30, s31;
	s8 =	sadd.s32 s7, s4  }
0x9: {  	s6 =	sadd.s32 s6, s7;
	s4 =	sadd.s32 $0x5B000, s8;
	s5 =	sadd.s32 $0x56000, s8  }
0xa: {  	s7 =	sadd.s32 $0x3800, s8;
	s8 =	smax.u32 s9, $0x1;
	s9 =	simm.s32 $0x1  }
.LBB2_1:
0xb: {  	[tilespmem:s2], [sflag:$0x1] =	stream.linear.gather [hbm4b:s3+s2], $0x4E80, $0x38;
	[tilespmem:$0x9E80] =	vst v63  }
0xc: {  	_ =	swait.ge [sflag:s9], $0x4E80  }
0xd: {  	[sflag:s9] =	ssyncset.done $0x0  }
0xe: {  	[sflag:s9] =	ssyncadd.s32 $0xFFFFB180  }
0xf: {  	[tilespmem:s10], [sflag:$0x1] =	stream.linear.gather [hbm4b:s4+s2], $0x1400, $0x38;
	[tilespmem:$0x9E80] =	vst v63  }
0x10: {  	_ =	swait.ge [sflag:s9], $0x1400  }
0x11: {  	[sflag:s9] =	ssyncset.done $0x0  }
0x12: {  	[sflag:s9] =	ssyncadd.s32 $0xFFFFEC00  }
0x13: {  	[tilespmem:s11], [sflag:$0x1] =	stream.linear.gather [hbm4b:s5+s2], $0x1400, $0x38;
	[tilespmem:$0x9E80] =	vst v63  }
0x14: {  	_ =	swait.ge [sflag:s9], $0x1400  }
0x15: {  	[sflag:s9] =	ssyncset.done $0x0  }
0x16: {  	s15 =	simm.s32 $0x0;
	[sflag:s9] =	ssyncadd.s32 $0xFFFFEC00  }
0x17: {  	v0 =	vld [tilespmem:s15+$0x4E80]  }
0x18: {  	v1 =	vld [tilespmem:s15+$0x6280];
	_ =	sdelay $0x3  }
0x19: {  	v2 =	vadd.s32 $0x1, v0  }
0x1a: {  	v3 =	vadd.s32 $0x1, v1  }
0x1b: {  	v4 =	vld [tilespmem:s15+$0x6290]  }
0x1c: {  	v0 =	vld.idx.msk [tilespmem:v0+s2+$0x0], $0xffff  }
0x1d: {  	v1 =	vld.idx.msk [tilespmem:v1+s2+$0x0], $0xffff  }
0x1e: {  	v2 =	vld.idx.msk [tilespmem:v2+s2+$0x0], $0xffff  }
0x1f: {  	v3 =	vld.idx.msk [tilespmem:v3+s2+$0x0], $0xffff  }
0x20: {  	v5 =	vld [tilespmem:s15+$0x4E90];
	_ =	sdelay $0x2  }
0x21: {  	v0 =	vmax.f32 v0, v1;
	v1 =	vadd.s32 $0x1, v4  }
0x22: {  	v0 =	vadd.f32 $9.999999740e-05, v0;
	v2 =	vmax.f32 v2, v3  }
0x23: {  	v3 =	vadd.s32 $0x1, v5;
	v2 =	vadd.f32 $9.999999740e-05, v2  }
0x24: {  	[tilespmem:s15+$0x7680] =	vst v0  }
0x25: {  	[tilespmem:s15+$0x8A80] =	vst v2  }
0x26: {  	v0 =	vld.idx.msk [tilespmem:v1+s2+$0x0], $0xffff  }
0x27: {  	v1 =	vld.idx.msk [tilespmem:v5+s2+$0x0], $0xffff  }
0x28: {  	v2 =	vld.idx.msk [tilespmem:v3+s2+$0x0], $0xffff  }
0x29: {  	v3 =	vld.idx.msk [tilespmem:v4+s2+$0x0], $0xffff  }
0x2a: {  	v4 =	vld [tilespmem:s15+$0x4EA0]  }
0x2b: {  	v5 =	vld [tilespmem:s15+$0x62A0];
	_ =	sdelay $0x1  }
0x2c: {  	v0 =	vmax.f32 v2, v0  }
0x2d: {  	v1 =	vmax.f32 v1, v3;
	v0 =	vadd.f32 $9.999999740e-05, v0  }
0x2e: {  	v2 =	vadd.s32 $0x1, v4;
	v1 =	vadd.f32 $9.999999740e-05, v1  }
0x2f: {  	[tilespmem:s15+$0x8A90] =	vst v0;
	v0 =	vadd.s32 $0x1, v5  }
0x30: {  	[tilespmem:s15+$0x7690] =	vst v1;
	v1 =	vld [tilespmem:s15+$0x62B0]  }
0x31: {  	v3 =	vld.idx.msk [tilespmem:v4+s2+$0x0], $0xffff  }
0x32: {  	v4 =	vld.idx.msk [tilespmem:v5+s2+$0x0], $0xffff  }
0x33: {  	v2 =	vld.idx.msk [tilespmem:v2+s2+$0x0], $0xffff  }
0x34: {  	v0 =	vld.idx.msk [tilespmem:v0+s2+$0x0], $0xffff;
	_ =	sdelay $0x1  }
0x35: {  	v5 =	vld [tilespmem:s15+$0x4EB0];
	_ =	sdelay $0x1  }
0x36: {  	v3 =	vmax.f32 v3, v4;
	v4 =	vadd.s32 $0x1, v1  }
0x37: {  	v3 =	vadd.f32 $9.999999740e-05, v3;
	v0 =	vmax.f32 v2, v0  }
0x38: {  	v0 =	vadd.f32 $9.999999740e-05, v0  }
0x39: {  	[tilespmem:s15+$0x76A0] =	vst v3;
	v2 =	vadd.s32 $0x1, v5  }
0x3a: {  	[tilespmem:s15+$0x8AA0] =	vst v0  }
0x3b: {  	v0 =	vld.idx.msk [tilespmem:v4+s2+$0x0], $0xffff  }
0x3c: {  	v1 =	vld.idx.msk [tilespmem:v1+s2+$0x0], $0xffff  }
0x3d: {  	v3 =	vld.idx.msk [tilespmem:v5+s2+$0x0], $0xffff  }
0x3e: {  	v2 =	vld.idx.msk [tilespmem:v2+s2+$0x0], $0xffff  }
0x3f: {  	v4 =	vld [tilespmem:s15+$0x62C0]  }
0x40: {  	v5 =	vld [tilespmem:s15+$0x4EC0];
	_ =	sdelay $0x1  }
0x41: {  	v1 =	vmax.f32 v3, v1  }
0x42: {  	v1 =	vadd.f32 $9.999999740e-05, v1;
	v0 =	vmax.f32 v2, v0  }
0x43: {  	v2 =	vadd.s32 $0x1, v4;
	v0 =	vadd.f32 $9.999999740e-05, v0  }
0x44: {  	[tilespmem:s15+$0x76B0] =	vst v1;
	v1 =	vadd.s32 $0x1, v5  }
0x45: {  	[tilespmem:s15+$0x8AB0] =	vst v0;
	v0 =	vld [tilespmem:s15+$0x4ED0]  }
0x46: {  	v3 =	vld.idx.msk [tilespmem:v4+s2+$0x0], $0xffff  }
0x47: {  	v4 =	vld.idx.msk [tilespmem:v5+s2+$0x0], $0xffff  }
0x48: {  	v2 =	vld.idx.msk [tilespmem:v2+s2+$0x0], $0xffff  }
0x49: {  	v1 =	vld.idx.msk [tilespmem:v1+s2+$0x0], $0xffff;
	_ =	sdelay $0x1  }
0x4a: {  	v5 =	vld [tilespmem:s15+$0x62D0];
	_ =	sdelay $0x1  }
0x4b: {  	v3 =	vmax.f32 v4, v3;
	v4 =	vadd.s32 $0x1, v0  }
0x4c: {  	v3 =	vadd.f32 $9.999999740e-05, v3;
	v1 =	vmax.f32 v1, v2  }
0x4d: {  	v1 =	vadd.f32 $9.999999740e-05, v1  }
0x4e: {  	[tilespmem:s15+$0x76C0] =	vst v3  }
0x4f: {  	v2 =	vadd.s32 $0x1, v5;
	[tilespmem:s15+$0x8AC0] =	vst v1  }
0x50: {  	v1 =	vld.idx.msk [tilespmem:v4+s2+$0x0], $0xffff  }
0x51: {  	v3 =	vld.idx.msk [tilespmem:v5+s2+$0x0], $0xffff  }
0x52: {  	v4 =	vld.idx.msk [tilespmem:v0+s2+$0x0], $0xffff  }
0x53: {  	v5 =	vld [tilespmem:s15+$0x4EE0]  }
0x54: {  	v2 =	vld.idx.msk [tilespmem:v2+s2+$0x0], $0xffff  }
0x55: {  	v0 =	vld [tilespmem:s15+$0x62E0];
	_ =	sdelay $0x2  }
0x56: {  	v3 =	vmax.f32 v4, v3  }
0x57: {  	v4 =	vadd.s32 $0x1, v5;
	v3 =	vadd.f32 $9.999999740e-05, v3;
	v1 =	vmax.f32 v1, v2  }
0x58: {  	v2 =	vadd.s32 $0x1, v0;
	v1 =	vadd.f32 $9.999999740e-05, v1  }
0x59: {  	[tilespmem:s15+$0x76D0] =	vst v3  }
0x5a: {  	[tilespmem:s15+$0x8AD0] =	vst v1  }
0x5b: {  	v1 =	vld.idx.msk [tilespmem:v5+s2+$0x0], $0xffff  }
0x5c: {  	v3 =	vld.idx.msk [tilespmem:v4+s2+$0x0], $0xffff  }
0x5d: {  	s16 =	simm.s32 $0x200;
	v2 =	vld.idx.msk [tilespmem:v2+s2+$0x0], $0xffff  }
.LBB2_2:
0x5e: {  	p0 =	sne.s32 s16, $0x4E00;
	v0 =	vld.idx.msk [tilespmem:v0+s2+$0x0], $0xffff;
	s17 =	smov.u32 s16;
	s16 =	sadd.s32 $0x200, s16  }
0x5f: {  	v4 =	vld [tilespmem:s15+$0x62F0]  }
0x60: {  	v5 =	vld [tilespmem:s15+$0x4EF0];
	_ =	sdelay $0x2  }
0x61: {  	v2 =	vmax.f32 v3, v2  }
0x62: {  	v0 =	vmax.f32 v1, v0;
	v1 =	vadd.f32 $9.999999740e-05, v2  }
0x63: {  	v0 =	vadd.f32 $9.999999740e-05, v0;
	v3 =	vadd.s32 $0x1, v4;
	v2 =	vadd.s32 $0x1, v5  }
0x64: {  	[tilespmem:s15+$0x8AE0] =	vst v1  }
0x65: {  	[tilespmem:s15+$0x76E0] =	vst v0  }
0x66: {  	v0 =	vld.idx.msk [tilespmem:v4+s2+$0x0], $0xffff  }
0x67: {  	v1 =	vld.idx.msk [tilespmem:v5+s2+$0x0], $0xffff  }
0x68: {  	v3 =	vld.idx.msk [tilespmem:v3+s2+$0x0], $0xffff  }
0x69: {  	v2 =	vld.idx.msk [tilespmem:v2+s2+$0x0], $0xffff  }
0x6a: {  	s17 =	sshra.s32 s17, $0x2  }
0x6b: {  	v4 =	vld [tilespmem:s17+$0x4E80]  }
0x6c: {  	v5 =	vld [tilespmem:s17+$0x6280]  }
0x6d: {  	v0 =	vmax.f32 v1, v0  }
0x6e: {  	v0 =	vadd.f32 $9.999999740e-05, v0  }
0x6f: {  	v1 =	vmax.f32 v2, v3  }
0x70: {  	v1 =	vadd.f32 $9.999999740e-05, v1;
	v2 =	vadd.s32 $0x1, v4;
	[tilespmem:s15+$0x76F0] =	vst v0  }
0x71: {  	v0 =	vadd.s32 $0x1, v5  }
0x72: {  	v3 =	vld [tilespmem:s17+$0x6290];
	[tilespmem:s15+$0x8AF0] =	vst v1;
	s15 =	smov.u32 s17  }
0x73: {  	v1 =	vld.idx.msk [tilespmem:v4+s2+$0x0], $0xffff  }
0x74: {  	v4 =	vld.idx.msk [tilespmem:v5+s2+$0x0], $0xffff  }
0x75: {  	v2 =	vld.idx.msk [tilespmem:v2+s2+$0x0], $0xffff  }
0x76: {  	v0 =	vld.idx.msk [tilespmem:v0+s2+$0x0], $0xffff;
	_ =	sdelay $0x1  }
0x77: {  	v5 =	vld [tilespmem:s15+$0x4E90];
	_ =	sdelay $0x1  }
0x78: {  	v1 =	vmax.f32 v1, v4;
	v4 =	vadd.s32 $0x1, v3  }
0x79: {  	v1 =	vadd.f32 $9.999999740e-05, v1  }
0x7a: {  	v0 =	vmax.f32 v2, v0  }
0x7b: {  	v0 =	vadd.f32 $9.999999740e-05, v0;
	[tilespmem:s15+$0x7680] =	vst v1;
	v1 =	vadd.s32 $0x1, v5;
	_ =	sdelay $0x1  }
0x7c: {  	[tilespmem:s15+$0x8A80] =	vst v0  }
0x7d: {  	v0 =	vld.idx.msk [tilespmem:v4+s2+$0x0], $0xffff  }
0x7e: {  	v2 =	vld.idx.msk [tilespmem:v5+s2+$0x0], $0xffff  }
0x7f: {  	v1 =	vld.idx.msk [tilespmem:v1+s2+$0x0], $0xffff  }
0x80: {  	v3 =	vld.idx.msk [tilespmem:v3+s2+$0x0], $0xffff;
	_ =	sdelay $0x1  }
0x81: {  	v4 =	vld [tilespmem:s15+$0x4EA0]  }
0x82: {  	v5 =	vld [tilespmem:s15+$0x62A0];
	_ =	sdelay $0x1  }
0x83: {  	v0 =	vmax.f32 v1, v0  }
0x84: {  	v1 =	vmax.f32 v2, v3;
	v0 =	vadd.f32 $9.999999740e-05, v0  }
0x85: {  	v1 =	vadd.f32 $9.999999740e-05, v1;
	v2 =	vadd.s32 $0x1, v4  }
0x86: {  	[tilespmem:s15+$0x8A90] =	vst v0;
	v0 =	vadd.s32 $0x1, v5  }
0x87: {  	[tilespmem:s15+$0x7690] =	vst v1;
	v1 =	vld [tilespmem:s15+$0x62B0]  }
0x88: {  	v3 =	vld.idx.msk [tilespmem:v4+s2+$0x0], $0xffff  }
0x89: {  	v4 =	vld.idx.msk [tilespmem:v5+s2+$0x0], $0xffff  }
0x8a: {  	v2 =	vld.idx.msk [tilespmem:v2+s2+$0x0], $0xffff  }
0x8b: {  	v0 =	vld.idx.msk [tilespmem:v0+s2+$0x0], $0xffff;
	_ =	sdelay $0x2  }
0x8c: {  	v5 =	vld [tilespmem:s15+$0x4EB0]  }
0x8d: {  	v3 =	vmax.f32 v3, v4  }
0x8e: {  	v4 =	vadd.s32 $0x1, v1;
	v3 =	vadd.f32 $9.999999740e-05, v3  }
0x8f: {  	v0 =	vmax.f32 v2, v0  }
0x90: {  	v0 =	vadd.f32 $9.999999740e-05, v0;
	[tilespmem:s15+$0x76A0] =	vst v3  }
0x91: {  	v2 =	vadd.s32 $0x1, v5  }
0x92: {  	[tilespmem:s15+$0x8AA0] =	vst v0  }
0x93: {  	v0 =	vld.idx.msk [tilespmem:v4+s2+$0x0], $0xffff  }
0x94: {  	v1 =	vld.idx.msk [tilespmem:v1+s2+$0x0], $0xffff  }
0x95: {  	v3 =	vld.idx.msk [tilespmem:v5+s2+$0x0], $0xffff  }
0x96: {  	v2 =	vld.idx.msk [tilespmem:v2+s2+$0x0], $0xffff  }
0x97: {  	v4 =	vld [tilespmem:s15+$0x62C0];
	_ =	sdelay $0x1  }
0x98: {  	v5 =	vld [tilespmem:s15+$0x4EC0];
	_ =	sdelay $0x1  }
0x99: {  	v1 =	vmax.f32 v3, v1  }
0x9a: {  	v1 =	vadd.f32 $9.999999740e-05, v1;
	v0 =	vmax.f32 v2, v0;
	v2 =	vadd.s32 $0x1, v4  }
0x9b: {  	v0 =	vadd.f32 $9.999999740e-05, v0  }
0x9c: {  	[tilespmem:s15+$0x76B0] =	vst v1;
	v1 =	vadd.s32 $0x1, v5  }
0x9d: {  	[tilespmem:s15+$0x8AB0] =	vst v0;
	v0 =	vld [tilespmem:s15+$0x4ED0]  }
0x9e: {  	v3 =	vld.idx.msk [tilespmem:v4+s2+$0x0], $0xffff  }
0x9f: {  	v2 =	vld.idx.msk [tilespmem:v2+s2+$0x0], $0xffff  }
0xa0: {  	v4 =	vld.idx.msk [tilespmem:v5+s2+$0x0], $0xffff  }
0xa1: {  	v1 =	vld.idx.msk [tilespmem:v1+s2+$0x0], $0xffff;
	_ =	sdelay $0x2  }
0xa2: {  	v5 =	vld [tilespmem:s15+$0x62D0];
	_ =	sdelay $0x1  }
0xa3: {  	v3 =	vmax.f32 v4, v3;
	v4 =	vadd.s32 $0x1, v0  }
0xa4: {  	v3 =	vadd.f32 $9.999999740e-05, v3;
	v1 =	vmax.f32 v1, v2  }
0xa5: {  	v1 =	vadd.f32 $9.999999740e-05, v1  }
0xa6: {  	[tilespmem:s15+$0x76C0] =	vst v3;
	v2 =	vadd.s32 $0x1, v5  }
0xa7: {  	[tilespmem:s15+$0x8AC0] =	vst v1  }
0xa8: {  	v1 =	vld.idx.msk [tilespmem:v4+s2+$0x0], $0xffff  }
0xa9: {  	v3 =	vld.idx.msk [tilespmem:v5+s2+$0x0], $0xffff  }
0xaa: {  	v4 =	vld.idx.msk [tilespmem:v0+s2+$0x0], $0xffff  }
0xab: {  	v2 =	vld.idx.msk [tilespmem:v2+s2+$0x0], $0xffff  }
0xac: {  	v0 =	vld [tilespmem:s15+$0x62E0]  }
0xad: {  	v5 =	vld [tilespmem:s15+$0x4EE0];
	_ =	sdelay $0x2  }
0xae: {  	v3 =	vmax.f32 v4, v3  }
0xaf: {  	v3 =	vadd.f32 $9.999999740e-05, v3;
	v1 =	vmax.f32 v1, v2;
	v2 =	vadd.s32 $0x1, v0  }
0xb0: {  	v1 =	vadd.f32 $9.999999740e-05, v1;
	v4 =	vadd.s32 $0x1, v5  }
.Ltmp0:
0xb1: {  	[tilespmem:s15+$0x76D0] =	vst v3;
	(pc) =	sbr.rel @p0 .LBB2_2-.Ltmp0, $4  }
0xb2: {  	[tilespmem:s15+$0x8AD0] =	vst v1  }
0xb3: {  	v1 =	vld.idx.msk [tilespmem:v5+s2+$0x0], $0xffff  }
0xb4: {  	v2 =	vld.idx.msk [tilespmem:v2+s2+$0x0], $0xffff  }
0xb5: {  	v3 =	vld.idx.msk [tilespmem:v4+s2+$0x0], $0xffff  }
0xb6: {  	_ =	sdelay $0x3  }
0xb7: {  	v0 =	vld.idx.msk [tilespmem:v0+s2+$0x0], $0xffff  }
0xb8: {  	v4 =	vld [tilespmem:s15+$0x62F0]  }
0xb9: {  	v5 =	vld [tilespmem:s15+$0x4EF0];
	_ =	sdelay $0x1  }
0xba: {  	v2 =	vmax.f32 v3, v2  }
0xbb: {  	v0 =	vmax.f32 v1, v0;
	v60 =	vadd.f32 $9.999999740e-05, v2  }
0xbc: {  	v61 =	vadd.s32 $0x1, v4;
	v0 =	vadd.f32 $9.999999740e-05, v0  }
0xbd: {  	v62 =	vadd.s32 $0x1, v5;
	[tilespmem:s15+$0x8AE0] =	vst v60  }
0xbe: {  	[tilespmem:s15+$0x76E0] =	vst v0  }
0xbf: {  	v0 =	vld.idx.msk [tilespmem:v4+s2+$0x0], $0xffff  }
0xc0: {  	v1 =	vld.idx.msk [tilespmem:v5+s2+$0x0], $0xffff  }
0xc1: {  	v2 =	vld.idx.msk [tilespmem:v61+s2+$0x0], $0xffff  }
0xc2: {  	v3 =	vld.idx.msk [tilespmem:v62+s2+$0x0], $0xffff;
	_ =	sdelay $0x3  }
0xc3: {  	v0 =	vmax.f32 v1, v0  }
0xc4: {  	v0 =	vadd.f32 $9.999999740e-05, v0;
	v63 =	vmax.f32 v3, v2  }
0xc5: {  	v1 =	vadd.f32 $9.999999740e-05, v63  }
0xc6: {  	[tilespmem:s15+$0x76F0] =	vst v0  }
0xc7: {  	[tilespmem:s15+$0x8AF0] =	vst v1  }
0xc8: {  	[hbm4b:s6+s2] =	stream.linear.scatter [tilespmem:s12], [sflag:$0x1], $0x1400, $0x38;
	[tilespmem:$0x9E80] =	vst v63  }
0xc9: {  	s14 =	sadd.s32 $0x1, s14;
	_ =	swait.ge [sflag:s9], $0x1400  }
0xca: {  	p0 =	sne.s32 s14, s8;
	[sflag:s9] =	ssyncset.done $0x0  }
.Ltmp1:
0xcb: {  	[sflag:s9] =	ssyncadd.s32 $0xFFFFEC00;
	(pc) =	sbr.rel @p0 .LBB2_1-.Ltmp1, $4  }
0xcc: {  	[hbm4b:s7+s2] =	stream.linear.scatter [tilespmem:s13], [sflag:$0x1], $0x1400, $0x38;
	[tilespmem:$0x9E80] =	vst v63  }
0xcd: {  	_ =	swait.ge [sflag:s9], $0x1400  }
0xce: {  	[sflag:s9] =	ssyncset.done $0x0  }
0xcf: {  	[sflag:s9] =	ssyncadd.s32 $0xFFFFEC00  }
0xd0: {  	_ =	sfence.sel $0x180000  }
0xd1: {  	[bflag:$0x0] =	sbarrier.arrive $0xFFFF  }
0xd2: {  	p0 =	sne.s32 s0, $0x0;
	_ =	strace $0x9000004D  }
0xd3: {  	s0 =	sadd.s32 @!p0 $0x100000, s1;
	[bflag:$0x2] =	sbarrier.arrive $0xFFFF  }
0xd4: {  	[sflag:s0] =	ssyncadd.tile.s32 @!p0 $0x1;
	_ =	shalt  }
.Lfunc_end2:
_tile_overlayer_lowered:
.L_overlay_start_2:
0xd5: {  	(tag) =	ssettag $0x2  }
0xd6: {  	s0 =	rddreg [dreg:$0x0];
	s2 =	stileid.u32  }
0xd7: {  	s1 =	rddreg [dreg:$0x1];
	p0 =	sne.s32 s2, $0x0  }
0xd8: {  	s3 =	rddreg [dreg:$0x2];
	[bflag:$0x3] =	sbarrier.arrive $0xFFFF;
	s2 =	simm.s32 @!p0 $0x1C01  }
0xd9: {  	[timem:s3], [sflag:s2] =	dma.local @!p0 [hbm:s0], s1  }
0xda: {  	s0 =	simm.s32 @!p0 $0x1  }
0xdb: {  	_ =	swait.ge @!p0 [sflag:s0], s1  }
0xdc: {  	s1 =	ssub.s32 @!p0 $0x0, s1;
	[sflag:s0] =	ssyncset.done @!p0 $0x0  }
0xdd: {  	[sflag:s0] =	ssyncadd.s32 @!p0 s1  }
0xde: {  	[bflag:$0x3] =	sbarrier.arrive $0xFFFF  }
0xdf: {  	_ =	shalt  }

// kernel: kernel.7.cloned.1.call-start
scs
__scs_entry_jumppad:
0x0: {  	(pc) =	sbr.rel $0x88, $3  }
0x1: {  	(tag) =	ssettag $0x0;
	lr =	simm.s32 $0x1  }
0x2: {  	[smem:$0x3F93] =	sst lr;
	_ =	strace $0xD0000000  }
0x3: {  	_ = 	snop  }
0x4: {  	_ = 	snop  }
0x5: {  	_ = 	snop  }
0x6: {  	_ = 	snop  }
0x7: {  	_ = 	snop  }
__scs_overlays_trampoline_lowered:
0x8: {  	[smem:$0x3FA2] =	sst s0  }
0x9: {  	[smem:$0x3FA3] =	sst s1  }
0xa: {  	[smem:$0x3FA4] =	sst s2  }
0xb: {  	[smem:$0x3FA5] =	sst s3  }
0xc: {  	[smem:$0x3FA6] =	sst s4  }
0xd: {  	[smem:$0x3FA7] =	sst s5  }
0xe: {  	[smem:$0x3FA8] =	sst s6  }
0xf: {  	[smem:$0x3FA9] =	sst s7  }
0x10: {  	[smem:$0x3FAA] =	sst s8  }
0x11: {  	[smem:$0x3FAB] =	sst s9;
	s0 =	simm.s32 @!p0 $0x0  }
0x12: {  	s1 =	sld [smem:$0x3F91];
	s0 =	simm.s32 @p0 $0x1  }
0x13: {  	[smem:$0x3FAC] =	sst s0;
	s0 =	simm.s32 @!p1 $0x0  }
0x14: {  	s2 =	sld [smem:$0x3F90];
	s0 =	simm.s32 @p1 $0x1  }
0x15: {  	[smem:$0x3FAD] =	sst s0;
	s0 =	simm.s32 @!p2 $0x0  }
0x16: {  	s3 =	sld [smem:$0x3FDB];
	s0 =	simm.s32 @p2 $0x1  }
0x17: {  	s4 =	simm.s32 $0x1BF5;
	[smem:$0x3FAF] =	sst s0  }
0x18: {  	s0 =	sld [smem:$0x3F92];
	_ =	swait.ge [sflag:s4], $0x0  }
0x19: {  	s7 =	sld [smem:$0x3F93]  }
0x1a: {  	s8 =	sadd.s32 $0xFFFFE003, lr  }
0x1b: {  	s9 =	sadd.s32 $0xFFFFFEF7, lr;
	s5 =	simm.s32 $0xFFFFFFFF;
	p2 =	slt.u32 s8, $0xFFFFF086  }
0x1c: {  	p1 =	slt.u32 s9, $0xF7A;
	s5 =	simm.s32 @!p2 $0x0  }
0x1d: {  	s5 =	simm.s32 @p1 $0x1;
	p0 =	seq.s32 s7, s2  }
0x1e: {  	s7 =	smul.u32 @!p0 $0xF7A, s2;
	p2 =	seq.s32 @!p0 s5, $0x0  }
0x1f: {  	s9 =	smul.u32 $0xF7A, s1;
	s8 =	simm.s32 @!p0 $0x1BF5;
	p2 =	por !p2, p0  }
0x20: {  	[sflag:s8] =	ssyncset.s32 @!p0 $0xFFFFF086;
	s6 =	sadd.s32 @!p0 s3, s7;
	s7 =	simm.s32 @!p0 $0x108  }
0x21: {  	s3 =	sadd.s32 s3, s9;
	s6 =	sadd.s32 @!p0 $0x88, s6;
	s7 =	simm.s32 @p2 $0x1082  }
0x22: {  	[simem:s7], [sflag:s8] =	dma.local @!p0 [hbm:s6], $0xF7A  }
0x23: {  	s9 =	sor.u32 $0xD0000000, s2;
	s6 =	simm.s32 $0x108;
	_ =	swait.ge @!p0 [sflag:s8], $0x0  }
0x24: {  	s3 =	sadd.s32 $0x88, s3;
	s6 =	simm.s32 @!p1 $0x1082;
	[sflag:s4] =	ssyncset.s32 $0xFFFFF086  }
0x25: {  	[simem:s6], [sflag:s4] =	dma.local [hbm:s3], $0xF7A  }
0x26: {  	[smem:$0x3F93] =	sst s1;
	(tag) =	ssettag s2;
	_ =	strace s9  }
0x27: {  	s1 =	sld [smem:$0x3FA3]  }
0x28: {  	s2 =	sld [smem:$0x3FA4]  }
0x29: {  	s4 =	sld [smem:$0x3FA6]  }
0x2a: {  	p0 =	seq.s32 s5, $0x0;
	s5 =	sld [smem:$0x3FA7]  }
0x2b: {  	s6 =	sld [smem:$0x3FA8]  }
0x2c: {  	s7 =	sld [smem:$0x3FA9]  }
0x2d: {  	s3 =	simm.s32 $0x108;
	s8 =	sld [smem:$0x3FAA]  }
0x2e: {  	s3 =	simm.s32 @!p0 $0x1082;
	s9 =	sld [smem:$0x3FAB]  }
0x2f: {  	lr =	sadd.s32 s0, s3;
	s0 =	sld [smem:$0x3FA2]  }
0x30: {  	s3 =	sld [smem:$0x3FA5]  }
0x31: {  	[smem:$0x3FAE] =	sst s10  }
0x32: {  	s10 =	sld [smem:$0x3FAC];
	_ =	sdelay $0x3  }
0x33: {  	p0 =	seq.s32 s10, $0x1;
	s10 =	sld [smem:$0x3FAE];
	_ =	sdelay $0x3  }
0x34: {  	[smem:$0x3FAE] =	sst s10  }
0x35: {  	s10 =	sld [smem:$0x3FAD];
	_ =	sdelay $0x3  }
0x36: {  	p1 =	seq.s32 s10, $0x1;
	s10 =	sld [smem:$0x3FAE];
	_ =	sdelay $0x3  }
0x37: {  	[smem:$0x3FAE] =	sst s10  }
0x38: {  	s10 =	sld [smem:$0x3FAF]  }
0x39: {  	_ = 	snop;
	(pc) =	sbr.ind lr, $3  }
0x3a: {  	_ = 	snop  }
0x3b: {  	_ = 	snop  }
0x3c: {  	p2 =	seq.s32 s10, $0x1;
	s10 =	sld [smem:$0x3FAE]  }
0x3d: {  	_ =	shalt  }
0x3e: {  	_ =	shalt  }
0x3f: {  	_ =	shalt  }
0x40: {  	_ =	shalt  }
0x41: {  	_ =	shalt  }
0x42: {  	_ =	shalt  }
0x43: {  	_ =	shalt  }
0x44: {  	_ =	shalt  }
0x45: {  	_ =	shalt  }
0x46: {  	_ =	shalt  }
0x47: {  	_ =	shalt  }
0x48: {  	_ =	shalt  }
0x49: {  	_ =	shalt  }
0x4a: {  	_ =	shalt  }
0x4b: {  	_ =	shalt  }
0x4c: {  	_ =	shalt  }
0x4d: {  	_ =	shalt  }
0x4e: {  	_ =	shalt  }
0x4f: {  	_ =	shalt  }
0x50: {  	_ =	shalt  }
0x51: {  	_ =	shalt  }
0x52: {  	_ =	shalt  }
0x53: {  	_ =	shalt  }
0x54: {  	_ =	shalt  }
0x55: {  	_ =	shalt  }
0x56: {  	_ =	shalt  }
0x57: {  	_ =	shalt  }
0x58: {  	_ =	shalt  }
0x59: {  	_ =	shalt  }
0x5a: {  	_ =	shalt  }
0x5b: {  	_ =	shalt  }
0x5c: {  	_ =	shalt  }
0x5d: {  	_ =	shalt  }
0x5e: {  	_ =	shalt  }
0x5f: {  	_ =	shalt  }
0x60: {  	_ =	shalt  }
0x61: {  	_ =	shalt  }
0x62: {  	_ =	shalt  }
0x63: {  	_ =	shalt  }
0x64: {  	_ =	shalt  }
0x65: {  	_ =	shalt  }
0x66: {  	_ =	shalt  }
0x67: {  	_ =	shalt  }
0x68: {  	_ =	shalt  }
0x69: {  	_ =	shalt  }
0x6a: {  	_ =	shalt  }
0x6b: {  	_ =	shalt  }
0x6c: {  	_ =	shalt  }
0x6d: {  	_ =	shalt  }
0x6e: {  	_ =	shalt  }
0x6f: {  	_ =	shalt  }
0x70: {  	_ =	shalt  }
0x71: {  	_ =	shalt  }
0x72: {  	_ =	shalt  }
0x73: {  	_ =	shalt  }
0x74: {  	_ =	shalt  }
0x75: {  	_ =	shalt  }
0x76: {  	_ =	shalt  }
0x77: {  	_ =	shalt  }
0x78: {  	_ =	shalt  }
0x79: {  	_ =	shalt  }
0x7a: {  	_ =	shalt  }
0x7b: {  	_ =	shalt  }
0x7c: {  	_ =	shalt  }
0x7d: {  	_ =	shalt  }
0x7e: {  	_ =	shalt  }
0x7f: {  	_ =	shalt  }
0x80: {  	_ =	shalt  }
0x81: {  	_ =	shalt  }
0x82: {  	_ =	shalt  }
0x83: {  	_ =	shalt  }
0x84: {  	_ =	shalt  }
0x85: {  	_ =	shalt  }
0x86: {  	_ =	shalt  }
0x87: {  	_ =	shalt  }
.Lfunc_end0:
.L_simem_size_0:
called_computation_lowered:
.L_overlay_start_0:
0x88: {  	s2 =	sld [smem:$0x3FD9]  }
0x89: {  	s3 =	sld [smem:$0x3FFE];
	_ =	sdelay $0x1  }
0x8a: {  	s1 =	srdreg.scid  }
0x8b: {  	s0 =	sand.u32 $0x1, s1  }
0x8c: {  	s17 =	sshll.u32 s0, $0xA;
	s2 =	sadd.s32 s3, s2  }
0x8d: {  	s2 =	sadd.s32 s2, s17  }
0x8e: {  	[smem:$0x3FBA] =	sst s2  }
0x8f: {  	_ = 	snop  }
0x90: {  	s2 =	sld [smem:$0x3FD0];
	(tm) =	ssettm $0x1  }
0x91: {  	s18 =	sld [smem:$0x3FFB];
	_ =	sdelay $0x3  }
0x92: {  	_ =	strace s18  }
0x93: {  	s3 =	sld [smem:$0x3FFC];
	_ =	sdelay $0x3  }
0x94: {  	_ =	strace s3  }
0x95: {  	s3 =	sld [smem:$0x3FFD];
	_ =	sdelay $0x3  }
0x96: {  	_ =	strace s3  }
0x97: {  	_ =	strace $0x8FFFFFFF  }
0x98: {  	s19 =	sld [smem:$0x3FDB];
	_ =	sdelay $0x1  }
0x99: {  	s4 =	simm.s32 $_scs_section_size  }
0x9a: {  	s5 =	simm.s32 $_size__tile_overlayer_lowered;
	s6 =	simm.s32 $_tile_overlayer_lowered  }
0x9b: {  	s22 =	simm.s32 $0x1BFF;
	s21 =	sshll.u32 s6, $0x1;
	s3 =	sadd.s32 s4, s19  }
0x9c: {  	s7 =	simm.s32 $0x0;
	s20 =	sshll.u32 s5, $0x1;
	s5 =	sadd.s32 s21, s3  }
0x9d: {  	[timem:s7], [sflag:s22] =	dma.local [hbm:s5], s20  }
0x9e: {  	_ =	swait.ge [sflag:s22], s20  }
0x9f: {  	s4 =	ssub.s32 $0x0, s20;
	[sflag:s22] =	ssyncset.done $0x0  }
0xa0: {  	[sflag:s22] =	ssyncadd.s32 s4;
	_ =	sdelay $0x1  }
0xa1: {  	s23 =	simm.s32 $0x1B8B  }
0xa2: {  	_ =	swait.ge [sflag:s23], $0x1  }
0xa3: {  	[sflag:s23] =	ssyncset.done $0x0  }
0xa4: {  	s25 =	simm.s32 $0x1B8E;
	s24 =	sld [smem:$0x3FFE];
	[sflag:s23] =	ssyncadd.s32 $0xFFFFFFFF  }
0xa5: {  	s26 =	simm.s32 $execute0_lowered;
	[smem:$0x3FD2] =	sst s25  }
0xa6: {  	s5 =	sshll.u32 s26, $0x1;
	_ =	strace $0x80000046;
	[dreg:$0x1] =	wrdreg $0xFFFFFFFF  }
0xa7: {  	s28 =	simm.s32 $_size_execute0_lowered;
	s3 =	sadd.s32 s3, s5;
	[dreg:$0x0] =	wrdreg $0x0  }
0xa8: {  	s5 =	sshll.u32 s28, $0x1;
	[dreg:$0x2] =	wrdreg s3  }
0xa9: {  	[dreg:$0x3] =	wrdreg s5  }
0xaa: {  	[dreg:$0x4] =	wrdreg $0xC0  }
0xab: {  	_ =	task [dreg:s7], $0x5FFFF  }
0xac: {  	[dreg:$0x1] =	wrdreg $0xFFFFFFFF  }
0xad: {  	[dreg:$0x0] =	wrdreg $0x60  }
0xae: {  	[dreg:$0x2] =	wrdreg s24  }
0xaf: {  	[dreg:$0x3] =	wrdreg s2  }
0xb0: {  	[dreg:$0x4] =	wrdreg $0x0  }
0xb1: {  	[dreg:$0x5] =	wrdreg $0x9  }
0xb2: {  	_ =	task.clear_ibuf [dreg:s7], $0x6FFFF;
	_ =	strace $0x90000046  }
0xb3: {  	s29 =	simm.s32 $0x9;
	_ =	strace $0x80000048  }
0xb4: {  	_ =	swait.ge [sflag:s29], $0x1  }
0xb5: {  	[sflag:s29] =	ssyncadd.s32 $0xFFFFFFFF  }
0xb6: {  	_ =	strace $0x90000048  }
0xb7: {  	_ =	sfence  }
0xb8: {  	s30 =	sld [smem:$0x0];
	_ =	sdelay $0x2  }
0xb9: {  	s31 =	sshll.u32 s1, $0xD;
	s1 =	sshrl.u32 s1, $0x2  }
0xba: {  	s3 =	sand.u32 $0x4000, s31;
	s1 =	sadd.s32 s1, s30  }
0xbb: {  	s0 =	sor.u32 s3, s0;
	s1 =	sshll.u32 s1, $0x11  }
0xbc: {  	s0 =	sor.u32 s1, s0  }
0xbd: {  	s0 =	sadd.s32 $0x8F2B, s0  }
0xbe: {  	[sflag:s0] =	ssyncadd.remote.s32 $0x1  }
0xbf: {  	_ =	sfence.sel $0xFFFF  }
0xc0: {  	[dreg:$0x0] =	wrdreg $0xFFFFFFFF;
	(pc) =	sbr.abs _section_cstart, $3  }
0xc1: {  	[dreg:$0x1] =	wrdreg $0xFFFFFFFF  }
0xc2: {  	_ =	task.clear_ibuf [dreg:s7], $0x2FFFF;
	_ =	strace $0x9FFFFFFF  }
0xc3: {  	(tm) =	ssettm $0x7FFFFFFF  }
tec
execute0_lowered:
.L_overlay_start_1:
0x0: {  	(tag) =	ssettag $0x1  }
0x1: {  	s6 =	rddreg [dreg:$0x0]  }
0x2: {  	s7 =	rddreg [dreg:$0x1]  }
0x3: {  	s0 =	stileid.u32;
	s1 =	srdreg.scid  }
0x4: {  	s2 =	rddreg [dreg:$0x2];
	s3 =	simm.s32 $0x0;
	s15 =	simm.s32 $0x80  }
0x5: {  	s16 =	simm.s32 $0x19800;
	s17 =	simm.s32 $0x1;
	s8 =	smul.u32 $0x2800, s0  }
0x6: {  	s5 =	sand.u32 $0x1, s1;
	s1 =	rddreg [dreg:$0x3];
	s11 =	smul.u32 $0x14800, s0  }
0x7: {  	s18 =	simm.s32 $0x0;
	[smem:$0x7FF] =	sst s3;
	s12 =	smul.u32 $0x52000, s0  }
0x8: {  	s4 =	sadd.s32 $0x2E00, s6;
	s30 =	sshll.u32 s0, $0x6;
	s9 =	smul.u32 $0x148000, s5  }
0x9: {  	_ =	strace $0x80000047;
	s28 =	ssub.s32 $0x2, s5;
	s14 =	smul.u32 $0x28000, s5  }
0xa: {  	s5 =	sadd.s32 $0x60000, s6;
	s10 =	sshrl.u32 s8, $0x3;
	s13 =	sshrl.u32 s28, $0x1  }
0xb: {  	s29 =	sshrl.u32 s12, $0x2;
	s12 =	simm.s32 $0x2;
	s10 =	sadd.s32 s10, s6  }
0xc: {  	s9 =	sadd.s32 s11, s9;
	s11 =	ssub.s32 s28, s13;
	s8 =	sadd.s32 s8, s14  }
0xd: {  	s31 =	sadd.s32 s29, s2;
	s13 =	simm.s32 $0x14800;
	s9 =	sshrl.u32 s9, $0x3  }
0xe: {  	s14 =	simm.s32 $0x17000;
	s8 =	sshrl.u32 s8, $0x3;
	s9 =	sadd.s32 s9, s6  }
0xf: {  	s6 =	sor.u32 $0x1C02, s30;
	s7 =	sadd.s32 s7, s8;
	s8 =	sadd.s32 $0x51000, s10  }
0x10: {  	s10 =	smax.u32 s11, $0x1;
	s11 =	sshrl.u32 s31, $0x3;
	s9 =	sadd.s32 $0x62A00, s9  }
.LBB2_1:
0x11: {  	[spmem:s11], [sflag:s6] =	dma.local [hbm:s5], $0x2900  }
0x12: {  	_ =	swait.ge [sflag:s12], $0x2900  }
0x13: {  	[sflag:s12] =	ssyncset.done $0x0  }
0x14: {  	[sflag:s12] =	ssyncadd.s32 $0xFFFFD700  }
0x15: {  	[tilespmem:s13], [sflag:$0x2] =	stream.linear.gather [hbm4b:s7+s3], $0x2800, $0x38;
	[tilespmem:$0x1D800] =	vst v63  }
0x16: {  	_ =	swait.ge [sflag:s12], $0x2800  }
0x17: {  	[sflag:s12] =	ssyncset.done $0x0  }
0x18: {  	[sflag:s12] =	ssyncadd.s32 $0xFFFFD800  }
0x19: {  	[tilespmem:s14], [sflag:$0x2] =	stream.linear.gather [hbm4b:s8+s3], $0x2800, $0x38;
	[tilespmem:$0x1D800] =	vst v63  }
0x1a: {  	_ =	swait.ge [sflag:s12], $0x2800  }
0x1b: {  	[sflag:s12] =	ssyncset.done $0x0  }
0x1c: {  	[sflag:s12] =	ssyncadd.s32 $0xFFFFD800  }
0x1d: {  	s19 =	simm.s32 $0x14800;
	[bflag:$0x0] =	sbarrier.arrive $0xFFFF  }
0x1e: {  	[tilespmem:s16], [sflag:$0x1] =	stream.indirect.gather [hbm4b:s4+s15], $0x80, s19, s15, $0xb8;
	[tilespmem:$0x1D800] =	vst v63  }
0x1f: {  	_ =	swait.ge [sflag:s17], $0x4000  }
0x20: {  	[sflag:s17] =	ssyncset.done $0x0  }
0x21: {  	s31 =	simm.s32 $0x17000;
	[sflag:s17] =	ssyncadd.s32 $0xFFFFC000  }
0x22: {  	[spmem:s2] =	stream.indirect.scatter.add.f32 [tilespmem:s16], [sflag:$0x2], $0x80, s31, s15, $0xb8;
	[tilespmem:$0x1D800] =	vst v63  }
0x23: {  	_ =	swait.ge [sflag:s12], $0x4000  }
0x24: {  	s20 =	simm.s32 $0x400;
	s19 =	simm.s32 $0x80;
	[sflag:s12] =	ssyncset.done $0x0  }
.LBB2_2:
0x25: {  	s21 =	sadd.s32 $0x14800, s19  }
0x26: {  	[sflag:s12] =	ssyncadd.s32 $0xFFFFC000;
	s22 =	smov.u32 s20;
	s23 =	sadd.s32 $0x200, s20  }
0x27: {  	[tilespmem:s16], [sflag:$0x1] =	stream.indirect.gather [hbm4b:s4+s15], $0x80, s21, s15, $0xb8;
	[tilespmem:$0x1D800] =	vst v63  }
0x28: {  	p0 =	sne.s32 s20, $0x9E00;
	_ =	swait.ge [sflag:s17], $0x4000  }
.Ltmp0:
0x29: {  	[sflag:s17] =	ssyncset.done $0x0;
	(pc) =	sbr.rel @p0 .LBB2_2-.Ltmp0, $4  }
0x2a: {  	s19 =	sadd.s32 $0x17000, s19;
	[sflag:s17] =	ssyncadd.s32 $0xFFFFC000  }
0x2b: {  	[spmem:s2] =	stream.indirect.scatter.add.f32 [tilespmem:s16], [sflag:$0x2], $0x80, s19, s15, $0xb8;
	[tilespmem:$0x1D800] =	vst v63  }
0x2c: {  	_ =	swait.ge [sflag:s12], $0x4000  }
0x2d: {  	s20 =	smov.u32 s23;
	s19 =	sshra.s32 s22, $0x2;
	[sflag:s12] =	ssyncset.done $0x0  }
0x2e: {  	s20 =	sadd.s32 $0x14800, s19;
	[sflag:s12] =	ssyncadd.s32 $0xFFFFC000  }
0x2f: {  	[tilespmem:s16], [sflag:$0x1] =	stream.indirect.gather [hbm4b:s4+s15], $0x80, s20, s15, $0xb8;
	[tilespmem:$0x1D800] =	vst v63  }
0x30: {  	_ =	swait.ge [sflag:s17], $0x4000  }
0x31: {  	[sflag:s17] =	ssyncset.done $0x0  }
0x32: {  	s31 =	sadd.s32 $0x17000, s19;
	[sflag:s17] =	ssyncadd.s32 $0xFFFFC000  }
0x33: {  	[spmem:s2] =	stream.indirect.scatter.add.f32 [tilespmem:s16], [sflag:$0x2], $0x80, s31, s15, $0xb8;
	[tilespmem:$0x1D800] =	vst v63  }
0x34: {  	_ =	swait.ge [sflag:s12], $0x4000  }
0x35: {  	s18 =	sadd.s32 $0x1, s18;
	[sflag:s12] =	ssyncset.done $0x0  }
0x36: {  	p0 =	sne.s32 s18, s10;
	[sflag:s12] =	ssyncadd.s32 $0xFFFFC000  }
.Ltmp1:
0x37: {  	[bflag:$0x0] =	sbarrier.arrive $0xFFFF;
	(pc) =	sbr.rel @p0 .LBB2_1-.Ltmp1, $4  }
0x38: {  	[hbm:s9], [sflag:s6] =	dma.local [spmem:s11], $0x2900  }
0x39: {  	_ =	swait.ge [sflag:s12], $0x2900  }
0x3a: {  	[sflag:s12] =	ssyncset.done $0x0  }
0x3b: {  	[sflag:s12] =	ssyncadd.s32 $0xFFFFD700  }
0x3c: {  	_ =	sfence.sel $0x180000  }
0x3d: {  	[bflag:$0x0] =	sbarrier.arrive $0xFFFF  }
0x3e: {  	p0 =	sne.s32 s0, $0x0;
	_ =	strace $0x90000047  }
0x3f: {  	s0 =	sadd.s32 @!p0 $0x100000, s1;
	[bflag:$0x2] =	sbarrier.arrive $0xFFFF  }
0x40: {  	[sflag:s0] =	ssyncadd.tile.s32 @!p0 $0x1;
	_ =	shalt  }
.Lfunc_end2:
_tile_overlayer_lowered:
.L_overlay_start_2:
0x41: {  	(tag) =	ssettag $0x2  }
0x42: {  	s0 =	rddreg [dreg:$0x0];
	s2 =	stileid.u32  }
0x43: {  	s1 =	rddreg [dreg:$0x1];
	p0 =	sne.s32 s2, $0x0  }
0x44: {  	s3 =	rddreg [dreg:$0x2];
	[bflag:$0x3] =	sbarrier.arrive $0xFFFF;
	s2 =	simm.s32 @!p0 $0x1C02  }
0x45: {  	[timem:s3], [sflag:s2] =	dma.local @!p0 [hbm:s0], s1  }
0x46: {  	s0 =	simm.s32 @!p0 $0x2  }
0x47: {  	_ =	swait.ge @!p0 [sflag:s0], s1  }
0x48: {  	s1 =	ssub.s32 @!p0 $0x0, s1;
	[sflag:s0] =	ssyncset.done @!p0 $0x0  }
0x49: {  	[sflag:s0] =	ssyncadd.s32 @!p0 s1  }
0x4a: {  	[bflag:$0x3] =	sbarrier.arrive $0xFFFF  }
0x4b: {  	_ =	shalt  }

</sc_bundles>
